<compile_context>
chip_gen: v7x
topology: tpu7x:2x2x1
jax: 0.10.2.dev20260603
libtpu: 0.0.44.dev20260713+nightly
codegen_flags: <defaults>
</compile_context>

<pallas_src>
import functools

import jax
import jax.numpy as jnp
from jax import lax
from jax.experimental import pallas as pl
from jax.experimental.pallas import tpu as pltpu
from jax.experimental.pallas import tpu_sc as plsc

N = 100000
NTILES = 32
RANGE = N // NTILES
NBINS = 3136
CHUNK = 4000
NCHUNKS = N // CHUNK
VPC = CHUNK // 16
TRASH = 16
C = 80

_mesh = plsc.VectorSubcoreMesh(core_axis_name="c", subcore_axis_name="s")
_params = pltpu.CompilerParams(needs_layout_passes=False)


@functools.partial(
    pl.kernel,
    out_type=jax.ShapeDtypeStruct((N + TRASH,), jnp.int32),
    mesh=_mesh,
    scratch_types=[
        pltpu.VMEM((CHUNK,), jnp.int32),
        pltpu.VMEM((NBINS,), jnp.int32),
        pltpu.VMEM((800, 128), jnp.int32),
        pltpu.VMEM((128,), jnp.int32),
    ],
    compiler_params=_params,
)
def _rank_kernel(v_hbm, rank_hbm, vstage, cnt, ord2, vbuf):
    wid = lax.axis_index("s") * 2 + lax.axis_index("c")
    lo = wid * RANGE
    hi = lo + RANGE
    iota = lax.iota(jnp.int32, 16)

    cc, _ = plsc.scan_count(jnp.zeros((16,), jnp.int32))
    c0 = jnp.min(cc)

    def zero_body(i, _):
        cnt[pl.ds(i * 16, 16)] = jnp.zeros((16,), jnp.int32)
        return 0
    lax.fori_loop(0, NBINS // 16, zero_body, 0)

    def scan_a_chunk(p, nbv):
        pltpu.sync_copy(v_hbm.at[pl.ds(p * CHUNK, CHUNK)], vstage)

        def body(i, nbv):
            x = vstage[pl.ds(i * 16, 16)]
            m = (x >= lo) & (x < hi)
            cntv, last = plsc.scan_count(x, m)
            plsc.addupdate_scatter(cnt, [x - lo], cntv - c0 + 1, mask=last)
            nbv = nbv + plsc.all_reduce_population_count(x < lo)
            return nbv
        return lax.fori_loop(0, VPC, body, nbv)

    nbv = lax.fori_loop(0, NCHUNKS, scan_a_chunk, jnp.zeros((16,), jnp.int32))
    base = jnp.max(nbv)

    def scan_body(i, s0):
        c = cnt[pl.ds(i * 16, 16)]
        cs = plsc.cumsum(c)
        cnt[pl.ds(i * 16, 16)] = cs - c + s0
        return s0 + jnp.max(cs)
    total_end = lax.fori_loop(0, NBINS // 16, scan_body, base)
    t_cnt = total_end - base

    def scan_b_chunk(p, _):
        pltpu.sync_copy(v_hbm.at[pl.ds(p * CHUNK, CHUNK)], vstage)

        def body(i, _):
            x = vstage[pl.ds(i * 16, 16)]
            m = (x >= lo) & (x < hi)
            b = x - lo
            pos = plsc.load_gather(cnt, [b], mask=m)
            cntv, last = plsc.scan_count(x, m)
            pl_pos = pos + (cntv - c0) - base
            jvec = (p * CHUNK + i * 16) + iota
            plsc.store_scatter(
                ord2, [lax.shift_right_logical(pl_pos, 7), pl_pos & 127],
                jvec, mask=m)
            plsc.addupdate_scatter(cnt, [b], cntv - c0 + 1, mask=last)
            return 0
        lax.fori_loop(0, VPC, body, 0)
        return 0
    lax.fori_loop(0, NCHUNKS, scan_b_chunk, 0)

    nch = (t_cnt + 127) // 128

    @pl.when(t_cnt > 0)
    def _():
        lr = nch - 1
        for mloc in range(8):
            lane_pos = lr * 128 + mloc * 16 + iota
            valid = lane_pos < t_cnt
            r = ord2[lr, pl.ds(mloc * 16, 16)]
            ord2[lr, pl.ds(mloc * 16, 16)] = jnp.where(valid, r, N + iota)

    def inv_body(k, _):
        for mloc in range(8):
            vbuf[pl.ds(mloc * 16, 16)] = (base + k * 128 + mloc * 16) + iota
        pltpu.sync_copy(vbuf, rank_hbm.at[ord2.at[k]])
        return 0
    lax.fori_loop(0, nch, inv_body, 0)


@functools.partial(
    pl.kernel,
    out_type=jax.ShapeDtypeStruct((N, 256), jnp.float32),
    mesh=_mesh,
    scratch_types=[
        pltpu.VMEM((1, C), jnp.int32),
        pltpu.VMEM((C, 256), jnp.float32),
    ],
    compiler_params=_params,
)
def _scatter_kernel(asc_hbm, cru_hbm, des_hbm, rank_hbm, out_hbm, ibuf, dbuf):
    wid = lax.axis_index("s") * 2 + lax.axis_index("c")

    def run_source(src_ref, offset, nchunks, kmax):
        def body(k, _):
            c = wid + NTILES * k

            @pl.when(c < nchunks)
            def _():
                pltpu.sync_copy(
                    rank_hbm.at[pl.ds(offset + c * C, C)], ibuf.at[0])
                pltpu.sync_copy(src_ref.at[pl.ds(c * C, C), :], dbuf)
                pltpu.sync_copy(dbuf, out_hbm.at[ibuf.at[0]])
            return 0
        lax.fori_loop(0, kmax, body, 0)

    run_source(asc_hbm, 0, 40000 // C, 16)
    run_source(cru_hbm, 40000, 40000 // C, 16)
    run_source(des_hbm, 80000, 20000 // C, 8)


def kernel(asc_dec, cru_dec, des_dec, concat_index):
    rank = _rank_kernel(concat_index.astype(jnp.int32))
    return _scatter_kernel(asc_dec, cru_dec, des_dec, rank)

# --- scband reference (transcript-rebuilt; emitter-appended) ---
"""Pipeline reference for scband-concatenate-80032420594082 (READ-ONLY COPY).

The authoritative reference and input builder live on the scoring server;
editing this copy changes nothing except your own understanding.
"""

import jax, jax.numpy as jnp
import numpy as np


def setup_inputs(seed: int = 0) -> dict:
    key = jax.random.key(seed)
    k1, k2, k3, k4 = jax.random.split(key, 4)
    asc_dec = jax.random.normal(k1, (40000, 256), dtype=jnp.float32)
    cru_dec = jax.random.normal(k2, (40000, 256), dtype=jnp.float32)
    des_dec = jax.random.normal(k3, (20000, 256), dtype=jnp.float32)
    concat_index = jax.random.randint(k4, (100000,), 0, 100000, dtype=jnp.int64 if jax.config.jax_enable_x64 else jnp.int32).astype(jnp.int32)
    return {"asc_dec": asc_dec, "cru_dec": cru_dec, "des_dec": des_dec, "concat_index": concat_index}


def reference(asc_dec, cru_dec, des_dec, concat_index):
    # tf.keras.layers.concatenate([...], 0) -> concat along axis 0
    concat_dec = jnp.concatenate([asc_dec, cru_dec, des_dec], axis=0)
    # tf.gather(concat_dec, tf.argsort(concat_index), axis=0)
    order = jnp.argsort(concat_index)
    return jnp.take(concat_dec, order, axis=0)

if __name__ == "__main__":
    import jax
    _d = setup_inputs()
    print(jax.jit(kernel)(*tuple(_d.values())))

</pallas_src>

<mosaic_0001>
#map = affine_map<(d0, d1) -> (0, 0)>
#map1 = affine_map<(d0, d1) -> (0)>
module attributes {stable_mosaic.version = 14 : i64} {
  func.func @_scatter_kernel(%arg0: i32, %arg1: i32, %arg2: memref<40000x256xf32, #tpu.memory_space<hbm>>, %arg3: memref<40000x256xf32, #tpu.memory_space<hbm>>, %arg4: memref<20000x256xf32, #tpu.memory_space<hbm>>, %arg5: memref<100016xi32, #tpu.memory_space<hbm>>, %arg6: memref<100000x256xf32, #tpu.memory_space<hbm>>, %arg7: memref<1x80xi32, #tpu.memory_space<vmem>>, %arg8: memref<80x256xf32, #tpu.memory_space<vmem>>) attributes {dimension_semantics = [#tpu.dimension_semantics<core_parallel>, #tpu.dimension_semantics<subcore_parallel>], iteration_bounds = array<i64: 2, 16>, scalar_prefetch = 0 : i64, scratch_operands = 2 : i64, tpu.core_type = #tpu.core_type<sc_vector_subcore>, window_params = [{transform_indices = #map}, {transform_indices = #map}, {transform_indices = #map}, {transform_indices = #map1}, {transform_indices = #map}]} {
    %mul3A = arith.constant 2 : i32
    %mul3A_0 = arith.muli %arg1, %mul3A : i32
    %add3A = arith.addi %mul3A_0, %arg0 : i32
    %scan3A = arith.constant 0 : i32
    %scan3A_1 = arith.constant 0 : i32
    %scan3A_2 = arith.constant 16 : i32
    %scan3A_3 = arith.addi %scan3A_1, %scan3A_2 : i32
    %scan3A_4 = arith.constant 1 : i32
    %scan3A_5 = scf.for %scan3A_21 = %scan3A_1 to %scan3A_3 step %scan3A_4 iter_args(%scan3A_22 = %scan3A) -> (i32)  : i32 {
      %mul3A_23 = arith.constant 32 : i32
      %mul3A_24 = arith.muli %mul3A_23, %scan3A_21 : i32
      %add3A_25 = arith.addi %add3A, %mul3A_24 : i32
      %lt3A = arith.constant 500 : i32
      %lt3A_26 = arith.cmpi slt, %add3A_25, %lt3A : i32
      %convert_element_type3A = arith.extui %lt3A_26 : i1 to i32
      %cond3A = arith.constant 0 : i32
      %cond3A_27 = arith.cmpi ne, %convert_element_type3A, %cond3A : i32
      scf.if %cond3A_27 {
        %mul3A_29 = arith.constant 80 : i32
        %mul3A_30 = arith.muli %add3A_25, %mul3A_29 : i32
        %add3A_31 = arith.constant 0 : i32
        %add3A_32 = arith.addi %add3A_31, %mul3A_30 : i32
        %run_scoped3A = arith.constant 0 : i32
        "tpu.region"() ({
          %run_scoped3A_36 = tpu.sem_alloc : memref<!tpu.dma_semaphore, #tpu.memory_space<semaphore_mem>>
          %dma_start3A = arith.constant 0 : i32
          %dma_start3A_37 = tpu.memref_slice %arg7[%run_scoped3A, %dma_start3A] : memref<1x80xi32, #tpu.memory_space<vmem>> -> memref<1x80xi32, #tpu.memory_space<vmem>>
          %dma_start3A_38 = tpu.memref_squeeze %dma_start3A_37 : memref<1x80xi32, #tpu.memory_space<vmem>> -> memref<80xi32, #tpu.memory_space<vmem>>
          %dma_start3A_39 = tpu.memref_slice %arg5[%add3A_32] : memref<100016xi32, #tpu.memory_space<hbm>> -> memref<80xi32, #tpu.memory_space<hbm>>
          %dma_start3A_40 = arith.constant 0 : i32
          %dma_start3A_41 = tpu.memref_slice %arg7[%run_scoped3A, %dma_start3A_40] : memref<1x80xi32, #tpu.memory_space<vmem>> -> memref<1x80xi32, #tpu.memory_space<vmem>>
          %dma_start3A_42 = tpu.memref_squeeze %dma_start3A_41 : memref<1x80xi32, #tpu.memory_space<vmem>> -> memref<80xi32, #tpu.memory_space<vmem>>
          %dma_start3A_43 = tpu.memref_slice %arg5[%add3A_32] : memref<100016xi32, #tpu.memory_space<hbm>> -> memref<80xi32, #tpu.memory_space<hbm>>
          tpu.enqueue_dma source(%dma_start3A_43 : memref<80xi32, #tpu.memory_space<hbm>>) target(%dma_start3A_42 : memref<80xi32, #tpu.memory_space<vmem>>) target_semaphore(%run_scoped3A_36 : memref<!tpu.dma_semaphore, #tpu.memory_space<semaphore_mem>>)
          %dma_wait3A = arith.constant 0 : i32
          %dma_wait3A_44 = tpu.memref_slice %arg7[%run_scoped3A, %dma_wait3A] : memref<1x80xi32, #tpu.memory_space<vmem>> -> memref<1x80xi32, #tpu.memory_space<vmem>>
          %dma_wait3A_45 = tpu.memref_squeeze %dma_wait3A_44 : memref<1x80xi32, #tpu.memory_space<vmem>> -> memref<80xi32, #tpu.memory_space<vmem>>
          %dma_wait3A_46 = tpu.memref_slice %arg5[%add3A_32] : memref<100016xi32, #tpu.memory_space<hbm>> -> memref<80xi32, #tpu.memory_space<hbm>>
          %dma_wait3A_47 = arith.constant 0 : i32
          %dma_wait3A_48 = tpu.memref_slice %arg7[%run_scoped3A, %dma_wait3A_47] : memref<1x80xi32, #tpu.memory_space<vmem>> -> memref<1x80xi32, #tpu.memory_space<vmem>>
          %dma_wait3A_49 = tpu.memref_squeeze %dma_wait3A_48 : memref<1x80xi32, #tpu.memory_space<vmem>> -> memref<80xi32, #tpu.memory_space<vmem>>
          %dma_wait3A_50 = tpu.memref_slice %arg5[%add3A_32] : memref<100016xi32, #tpu.memory_space<hbm>> -> memref<80xi32, #tpu.memory_space<hbm>>
          tpu.wait_dma2 semaphore(%run_scoped3A_36 : memref<!tpu.dma_semaphore, #tpu.memory_space<semaphore_mem>>) src(%dma_wait3A_50 : memref<80xi32, #tpu.memory_space<hbm>>) dst(%dma_wait3A_49 : memref<80xi32, #tpu.memory_space<vmem>>)
          tpu.yield
        }) : () -> ()
        %mul3A_33 = arith.constant 80 : i32
        %mul3A_34 = arith.muli %add3A_25, %mul3A_33 : i32
        "tpu.region"() ({
          %run_scoped3A_36 = tpu.sem_alloc : memref<!tpu.dma_semaphore, #tpu.memory_space<semaphore_mem>>
          %dma_start3A = arith.constant 0 : i32
          %dma_start3A_37 = tpu.memref_slice %arg2[%mul3A_34, %dma_start3A] : memref<40000x256xf32, #tpu.memory_space<hbm>> -> memref<80x256xf32, #tpu.memory_space<hbm>>
          %dma_start3A_38 = arith.constant 0 : i32
          %dma_start3A_39 = tpu.memref_slice %arg2[%mul3A_34, %dma_start3A_38] : memref<40000x256xf32, #tpu.memory_space<hbm>> -> memref<80x256xf32, #tpu.memory_space<hbm>>
          tpu.enqueue_dma source(%dma_start3A_39 : memref<80x256xf32, #tpu.memory_space<hbm>>) target(%arg8 : memref<80x256xf32, #tpu.memory_space<vmem>>) target_semaphore(%run_scoped3A_36 : memref<!tpu.dma_semaphore, #tpu.memory_space<semaphore_mem>>)
          %dma_wait3A = arith.constant 0 : i32
          %dma_wait3A_40 = tpu.memref_slice %arg2[%mul3A_34, %dma_wait3A] : memref<40000x256xf32, #tpu.memory_space<hbm>> -> memref<80x256xf32, #tpu.memory_space<hbm>>
          %dma_wait3A_41 = arith.constant 0 : i32
          %dma_wait3A_42 = tpu.memref_slice %arg2[%mul3A_34, %dma_wait3A_41] : memref<40000x256xf32, #tpu.memory_space<hbm>> -> memref<80x256xf32, #tpu.memory_space<hbm>>
          tpu.wait_dma2 semaphore(%run_scoped3A_36 : memref<!tpu.dma_semaphore, #tpu.memory_space<semaphore_mem>>) src(%dma_wait3A_42 : memref<80x256xf32, #tpu.memory_space<hbm>>) dst(%arg8 : memref<80x256xf32, #tpu.memory_space<vmem>>)
          tpu.yield
        }) : () -> ()
        %run_scoped3A_35 = arith.constant 0 : i32
        "tpu.region"() ({
          %run_scoped3A_36 = tpu.sem_alloc : memref<!tpu.dma_semaphore, #tpu.memory_space<semaphore_mem>>
          %dma_start3A = arith.constant 0 : i32
          %dma_start3A_37 = tpu.memref_slice %arg7[%run_scoped3A_35, %dma_start3A] : memref<1x80xi32, #tpu.memory_space<vmem>> -> memref<1x80xi32, #tpu.memory_space<vmem>>
          %dma_start3A_38 = tpu.memref_squeeze %dma_start3A_37 : memref<1x80xi32, #tpu.memory_space<vmem>> -> memref<80xi32, #tpu.memory_space<vmem>>
          %dma_start3A_39 = arith.constant 0 : i32
          %dma_start3A_40 = arith.constant 0 : i32
          %dma_start3A_41 = tpu.memref_slice %arg6[%dma_start3A_39, %dma_start3A_40] : memref<100000x256xf32, #tpu.memory_space<hbm>> -> memref<100000x256xf32, #tpu.memory_space<hbm>>
          tpu.enqueue_indirect_dma source(%arg8 : memref<80x256xf32, #tpu.memory_space<vmem>>) target(%dma_start3A_41 : memref<100000x256xf32, #tpu.memory_space<hbm>>) offsets(%dma_start3A_38 : memref<80xi32, #tpu.memory_space<vmem>>) semaphore(%run_scoped3A_36 : memref<!tpu.dma_semaphore, #tpu.memory_space<semaphore_mem>>)
          %dma_wait3A = arith.constant 0 : i32
          %dma_wait3A_42 = tpu.memref_slice %arg7[%run_scoped3A_35, %dma_wait3A] : memref<1x80xi32, #tpu.memory_space<vmem>> -> memref<1x80xi32, #tpu.memory_space<vmem>>
          %dma_wait3A_43 = tpu.memref_squeeze %dma_wait3A_42 : memref<1x80xi32, #tpu.memory_space<vmem>> -> memref<80xi32, #tpu.memory_space<vmem>>
          %dma_wait3A_44 = arith.constant 0 : i32
          %dma_wait3A_45 = arith.constant 0 : i32
          %dma_wait3A_46 = tpu.memref_slice %arg6[%dma_wait3A_44, %dma_wait3A_45] : memref<100000x256xf32, #tpu.memory_space<hbm>> -> memref<100000x256xf32, #tpu.memory_space<hbm>>
          tpu.wait_indirect_dma semaphore(%run_scoped3A_36 : memref<!tpu.dma_semaphore, #tpu.memory_space<semaphore_mem>>) src(%arg8 : memref<80x256xf32, #tpu.memory_space<vmem>>) dst(%dma_wait3A_46 : memref<100000x256xf32, #tpu.memory_space<hbm>>)
          tpu.yield
        }) : () -> ()
      } else {
      }
      %scan3A_28 = arith.constant 0 : i32
      scf.yield %scan3A_28 : i32
    }
    %scan3A_6 = arith.constant 16 : i32
    %scan3A_7 = arith.constant 0 : i32
    %scan3A_8 = arith.constant 0 : i32
    %scan3A_9 = arith.constant 16 : i32
    %scan3A_10 = arith.addi %scan3A_8, %scan3A_9 : i32
    %scan3A_11 = arith.constant 1 : i32
    %scan3A_12 = scf.for %scan3A_21 = %scan3A_8 to %scan3A_10 step %scan3A_11 iter_args(%scan3A_22 = %scan3A_7) -> (i32)  : i32 {
      %mul3A_23 = arith.constant 32 : i32
      %mul3A_24 = arith.muli %mul3A_23, %scan3A_21 : i32
      %add3A_25 = arith.addi %add3A, %mul3A_24 : i32
      %lt3A = arith.constant 500 : i32
      %lt3A_26 = arith.cmpi slt, %add3A_25, %lt3A : i32
      %convert_element_type3A = arith.extui %lt3A_26 : i1 to i32
      %cond3A = arith.constant 0 : i32
      %cond3A_27 = arith.cmpi ne, %convert_element_type3A, %cond3A : i32
      scf.if %cond3A_27 {
        %mul3A_29 = arith.constant 80 : i32
        %mul3A_30 = arith.muli %add3A_25, %mul3A_29 : i32
        %add3A_31 = arith.constant 40000 : i32
        %add3A_32 = arith.addi %add3A_31, %mul3A_30 : i32
        %run_scoped3A = arith.constant 0 : i32
        "tpu.region"() ({
          %run_scoped3A_36 = tpu.sem_alloc : memref<!tpu.dma_semaphore, #tpu.memory_space<semaphore_mem>>
          %dma_start3A = arith.constant 0 : i32
          %dma_start3A_37 = tpu.memref_slice %arg7[%run_scoped3A, %dma_start3A] : memref<1x80xi32, #tpu.memory_space<vmem>> -> memref<1x80xi32, #tpu.memory_space<vmem>>
          %dma_start3A_38 = tpu.memref_squeeze %dma_start3A_37 : memref<1x80xi32, #tpu.memory_space<vmem>> -> memref<80xi32, #tpu.memory_space<vmem>>
          %dma_start3A_39 = tpu.memref_slice %arg5[%add3A_32] : memref<100016xi32, #tpu.memory_space<hbm>> -> memref<80xi32, #tpu.memory_space<hbm>>
          %dma_start3A_40 = arith.constant 0 : i32
          %dma_start3A_41 = tpu.memref_slice %arg7[%run_scoped3A, %dma_start3A_40] : memref<1x80xi32, #tpu.memory_space<vmem>> -> memref<1x80xi32, #tpu.memory_space<vmem>>
          %dma_start3A_42 = tpu.memref_squeeze %dma_start3A_41 : memref<1x80xi32, #tpu.memory_space<vmem>> -> memref<80xi32, #tpu.memory_space<vmem>>
          %dma_start3A_43 = tpu.memref_slice %arg5[%add3A_32] : memref<100016xi32, #tpu.memory_space<hbm>> -> memref<80xi32, #tpu.memory_space<hbm>>
          tpu.enqueue_dma source(%dma_start3A_43 : memref<80xi32, #tpu.memory_space<hbm>>) target(%dma_start3A_42 : memref<80xi32, #tpu.memory_space<vmem>>) target_semaphore(%run_scoped3A_36 : memref<!tpu.dma_semaphore, #tpu.memory_space<semaphore_mem>>)
          %dma_wait3A = arith.constant 0 : i32
          %dma_wait3A_44 = tpu.memref_slice %arg7[%run_scoped3A, %dma_wait3A] : memref<1x80xi32, #tpu.memory_space<vmem>> -> memref<1x80xi32, #tpu.memory_space<vmem>>
          %dma_wait3A_45 = tpu.memref_squeeze %dma_wait3A_44 : memref<1x80xi32, #tpu.memory_space<vmem>> -> memref<80xi32, #tpu.memory_space<vmem>>
          %dma_wait3A_46 = tpu.memref_slice %arg5[%add3A_32] : memref<100016xi32, #tpu.memory_space<hbm>> -> memref<80xi32, #tpu.memory_space<hbm>>
          %dma_wait3A_47 = arith.constant 0 : i32
          %dma_wait3A_48 = tpu.memref_slice %arg7[%run_scoped3A, %dma_wait3A_47] : memref<1x80xi32, #tpu.memory_space<vmem>> -> memref<1x80xi32, #tpu.memory_space<vmem>>
          %dma_wait3A_49 = tpu.memref_squeeze %dma_wait3A_48 : memref<1x80xi32, #tpu.memory_space<vmem>> -> memref<80xi32, #tpu.memory_space<vmem>>
          %dma_wait3A_50 = tpu.memref_slice %arg5[%add3A_32] : memref<100016xi32, #tpu.memory_space<hbm>> -> memref<80xi32, #tpu.memory_space<hbm>>
          tpu.wait_dma2 semaphore(%run_scoped3A_36 : memref<!tpu.dma_semaphore, #tpu.memory_space<semaphore_mem>>) src(%dma_wait3A_50 : memref<80xi32, #tpu.memory_space<hbm>>) dst(%dma_wait3A_49 : memref<80xi32, #tpu.memory_space<vmem>>)
          tpu.yield
        }) : () -> ()
        %mul3A_33 = arith.constant 80 : i32
        %mul3A_34 = arith.muli %add3A_25, %mul3A_33 : i32
        "tpu.region"() ({
          %run_scoped3A_36 = tpu.sem_alloc : memref<!tpu.dma_semaphore, #tpu.memory_space<semaphore_mem>>
          %dma_start3A = arith.constant 0 : i32
          %dma_start3A_37 = tpu.memref_slice %arg3[%mul3A_34, %dma_start3A] : memref<40000x256xf32, #tpu.memory_space<hbm>> -> memref<80x256xf32, #tpu.memory_space<hbm>>
          %dma_start3A_38 = arith.constant 0 : i32
          %dma_start3A_39 = tpu.memref_slice %arg3[%mul3A_34, %dma_start3A_38] : memref<40000x256xf32, #tpu.memory_space<hbm>> -> memref<80x256xf32, #tpu.memory_space<hbm>>
          tpu.enqueue_dma source(%dma_start3A_39 : memref<80x256xf32, #tpu.memory_space<hbm>>) target(%arg8 : memref<80x256xf32, #tpu.memory_space<vmem>>) target_semaphore(%run_scoped3A_36 : memref<!tpu.dma_semaphore, #tpu.memory_space<semaphore_mem>>)
          %dma_wait3A = arith.constant 0 : i32
          %dma_wait3A_40 = tpu.memref_slice %arg3[%mul3A_34, %dma_wait3A] : memref<40000x256xf32, #tpu.memory_space<hbm>> -> memref<80x256xf32, #tpu.memory_space<hbm>>
          %dma_wait3A_41 = arith.constant 0 : i32
          %dma_wait3A_42 = tpu.memref_slice %arg3[%mul3A_34, %dma_wait3A_41] : memref<40000x256xf32, #tpu.memory_space<hbm>> -> memref<80x256xf32, #tpu.memory_space<hbm>>
          tpu.wait_dma2 semaphore(%run_scoped3A_36 : memref<!tpu.dma_semaphore, #tpu.memory_space<semaphore_mem>>) src(%dma_wait3A_42 : memref<80x256xf32, #tpu.memory_space<hbm>>) dst(%arg8 : memref<80x256xf32, #tpu.memory_space<vmem>>)
          tpu.yield
        }) : () -> ()
        %run_scoped3A_35 = arith.constant 0 : i32
        "tpu.region"() ({
          %run_scoped3A_36 = tpu.sem_alloc : memref<!tpu.dma_semaphore, #tpu.memory_space<semaphore_mem>>
          %dma_start3A = arith.constant 0 : i32
          %dma_start3A_37 = tpu.memref_slice %arg7[%run_scoped3A_35, %dma_start3A] : memref<1x80xi32, #tpu.memory_space<vmem>> -> memref<1x80xi32, #tpu.memory_space<vmem>>
          %dma_start3A_38 = tpu.memref_squeeze %dma_start3A_37 : memref<1x80xi32, #tpu.memory_space<vmem>> -> memref<80xi32, #tpu.memory_space<vmem>>
          %dma_start3A_39 = arith.constant 0 : i32
          %dma_start3A_40 = arith.constant 0 : i32
          %dma_start3A_41 = tpu.memref_slice %arg6[%dma_start3A_39, %dma_start3A_40] : memref<100000x256xf32, #tpu.memory_space<hbm>> -> memref<100000x256xf32, #tpu.memory_space<hbm>>
          tpu.enqueue_indirect_dma source(%arg8 : memref<80x256xf32, #tpu.memory_space<vmem>>) target(%dma_start3A_41 : memref<100000x256xf32, #tpu.memory_space<hbm>>) offsets(%dma_start3A_38 : memref<80xi32, #tpu.memory_space<vmem>>) semaphore(%run_scoped3A_36 : memref<!tpu.dma_semaphore, #tpu.memory_space<semaphore_mem>>)
          %dma_wait3A = arith.constant 0 : i32
          %dma_wait3A_42 = tpu.memref_slice %arg7[%run_scoped3A_35, %dma_wait3A] : memref<1x80xi32, #tpu.memory_space<vmem>> -> memref<1x80xi32, #tpu.memory_space<vmem>>
          %dma_wait3A_43 = tpu.memref_squeeze %dma_wait3A_42 : memref<1x80xi32, #tpu.memory_space<vmem>> -> memref<80xi32, #tpu.memory_space<vmem>>
          %dma_wait3A_44 = arith.constant 0 : i32
          %dma_wait3A_45 = arith.constant 0 : i32
          %dma_wait3A_46 = tpu.memref_slice %arg6[%dma_wait3A_44, %dma_wait3A_45] : memref<100000x256xf32, #tpu.memory_space<hbm>> -> memref<100000x256xf32, #tpu.memory_space<hbm>>
          tpu.wait_indirect_dma semaphore(%run_scoped3A_36 : memref<!tpu.dma_semaphore, #tpu.memory_space<semaphore_mem>>) src(%arg8 : memref<80x256xf32, #tpu.memory_space<vmem>>) dst(%dma_wait3A_46 : memref<100000x256xf32, #tpu.memory_space<hbm>>)
          tpu.yield
        }) : () -> ()
      } else {
      }
      %scan3A_28 = arith.constant 0 : i32
      scf.yield %scan3A_28 : i32
    }
    %scan3A_13 = arith.constant 16 : i32
    %scan3A_14 = arith.constant 0 : i32
    %scan3A_15 = arith.constant 0 : i32
    %scan3A_16 = arith.constant 8 : i32
    %scan3A_17 = arith.addi %scan3A_15, %scan3A_16 : i32
    %scan3A_18 = arith.constant 1 : i32
    %scan3A_19 = scf.for %scan3A_21 = %scan3A_15 to %scan3A_17 step %scan3A_18 iter_args(%scan3A_22 = %scan3A_14) -> (i32)  : i32 {
      %mul3A_23 = arith.constant 32 : i32
      %mul3A_24 = arith.muli %mul3A_23, %scan3A_21 : i32
      %add3A_25 = arith.addi %add3A, %mul3A_24 : i32
      %lt3A = arith.constant 250 : i32
      %lt3A_26 = arith.cmpi slt, %add3A_25, %lt3A : i32
      %convert_element_type3A = arith.extui %lt3A_26 : i1 to i32
      %cond3A = arith.constant 0 : i32
      %cond3A_27 = arith.cmpi ne, %convert_element_type3A, %cond3A : i32
      scf.if %cond3A_27 {
        %mul3A_29 = arith.constant 80 : i32
        %mul3A_30 = arith.muli %add3A_25, %mul3A_29 : i32
        %add3A_31 = arith.constant 80000 : i32
        %add3A_32 = arith.addi %add3A_31, %mul3A_30 : i32
        %run_scoped3A = arith.constant 0 : i32
        "tpu.region"() ({
          %run_scoped3A_36 = tpu.sem_alloc : memref<!tpu.dma_semaphore, #tpu.memory_space<semaphore_mem>>
          %dma_start3A = arith.constant 0 : i32
          %dma_start3A_37 = tpu.memref_slice %arg7[%run_scoped3A, %dma_start3A] : memref<1x80xi32, #tpu.memory_space<vmem>> -> memref<1x80xi32, #tpu.memory_space<vmem>>
          %dma_start3A_38 = tpu.memref_squeeze %dma_start3A_37 : memref<1x80xi32, #tpu.memory_space<vmem>> -> memref<80xi32, #tpu.memory_space<vmem>>
          %dma_start3A_39 = tpu.memref_slice %arg5[%add3A_32] : memref<100016xi32, #tpu.memory_space<hbm>> -> memref<80xi32, #tpu.memory_space<hbm>>
          %dma_start3A_40 = arith.constant 0 : i32
          %dma_start3A_41 = tpu.memref_slice %arg7[%run_scoped3A, %dma_start3A_40] : memref<1x80xi32, #tpu.memory_space<vmem>> -> memref<1x80xi32, #tpu.memory_space<vmem>>
          %dma_start3A_42 = tpu.memref_squeeze %dma_start3A_41 : memref<1x80xi32, #tpu.memory_space<vmem>> -> memref<80xi32, #tpu.memory_space<vmem>>
          %dma_start3A_43 = tpu.memref_slice %arg5[%add3A_32] : memref<100016xi32, #tpu.memory_space<hbm>> -> memref<80xi32, #tpu.memory_space<hbm>>
          tpu.enqueue_dma source(%dma_start3A_43 : memref<80xi32, #tpu.memory_space<hbm>>) target(%dma_start3A_42 : memref<80xi32, #tpu.memory_space<vmem>>) target_semaphore(%run_scoped3A_36 : memref<!tpu.dma_semaphore, #tpu.memory_space<semaphore_mem>>)
          %dma_wait3A = arith.constant 0 : i32
          %dma_wait3A_44 = tpu.memref_slice %arg7[%run_scoped3A, %dma_wait3A] : memref<1x80xi32, #tpu.memory_space<vmem>> -> memref<1x80xi32, #tpu.memory_space<vmem>>
          %dma_wait3A_45 = tpu.memref_squeeze %dma_wait3A_44 : memref<1x80xi32, #tpu.memory_space<vmem>> -> memref<80xi32, #tpu.memory_space<vmem>>
          %dma_wait3A_46 = tpu.memref_slice %arg5[%add3A_32] : memref<100016xi32, #tpu.memory_space<hbm>> -> memref<80xi32, #tpu.memory_space<hbm>>
          %dma_wait3A_47 = arith.constant 0 : i32
          %dma_wait3A_48 = tpu.memref_slice %arg7[%run_scoped3A, %dma_wait3A_47] : memref<1x80xi32, #tpu.memory_space<vmem>> -> memref<1x80xi32, #tpu.memory_space<vmem>>
          %dma_wait3A_49 = tpu.memref_squeeze %dma_wait3A_48 : memref<1x80xi32, #tpu.memory_space<vmem>> -> memref<80xi32, #tpu.memory_space<vmem>>
          %dma_wait3A_50 = tpu.memref_slice %arg5[%add3A_32] : memref<100016xi32, #tpu.memory_space<hbm>> -> memref<80xi32, #tpu.memory_space<hbm>>
          tpu.wait_dma2 semaphore(%run_scoped3A_36 : memref<!tpu.dma_semaphore, #tpu.memory_space<semaphore_mem>>) src(%dma_wait3A_50 : memref<80xi32, #tpu.memory_space<hbm>>) dst(%dma_wait3A_49 : memref<80xi32, #tpu.memory_space<vmem>>)
          tpu.yield
        }) : () -> ()
        %mul3A_33 = arith.constant 80 : i32
        %mul3A_34 = arith.muli %add3A_25, %mul3A_33 : i32
        "tpu.region"() ({
          %run_scoped3A_36 = tpu.sem_alloc : memref<!tpu.dma_semaphore, #tpu.memory_space<semaphore_mem>>
          %dma_start3A = arith.constant 0 : i32
          %dma_start3A_37 = tpu.memref_slice %arg4[%mul3A_34, %dma_start3A] : memref<20000x256xf32, #tpu.memory_space<hbm>> -> memref<80x256xf32, #tpu.memory_space<hbm>>
          %dma_start3A_38 = arith.constant 0 : i32
          %dma_start3A_39 = tpu.memref_slice %arg4[%mul3A_34, %dma_start3A_38] : memref<20000x256xf32, #tpu.memory_space<hbm>> -> memref<80x256xf32, #tpu.memory_space<hbm>>
          tpu.enqueue_dma source(%dma_start3A_39 : memref<80x256xf32, #tpu.memory_space<hbm>>) target(%arg8 : memref<80x256xf32, #tpu.memory_space<vmem>>) target_semaphore(%run_scoped3A_36 : memref<!tpu.dma_semaphore, #tpu.memory_space<semaphore_mem>>)
          %dma_wait3A = arith.constant 0 : i32
          %dma_wait3A_40 = tpu.memref_slice %arg4[%mul3A_34, %dma_wait3A] : memref<20000x256xf32, #tpu.memory_space<hbm>> -> memref<80x256xf32, #tpu.memory_space<hbm>>
          %dma_wait3A_41 = arith.constant 0 : i32
          %dma_wait3A_42 = tpu.memref_slice %arg4[%mul3A_34, %dma_wait3A_41] : memref<20000x256xf32, #tpu.memory_space<hbm>> -> memref<80x256xf32, #tpu.memory_space<hbm>>
          tpu.wait_dma2 semaphore(%run_scoped3A_36 : memref<!tpu.dma_semaphore, #tpu.memory_space<semaphore_mem>>) src(%dma_wait3A_42 : memref<80x256xf32, #tpu.memory_space<hbm>>) dst(%arg8 : memref<80x256xf32, #tpu.memory_space<vmem>>)
          tpu.yield
        }) : () -> ()
        %run_scoped3A_35 = arith.constant 0 : i32
        "tpu.region"() ({
          %run_scoped3A_36 = tpu.sem_alloc : memref<!tpu.dma_semaphore, #tpu.memory_space<semaphore_mem>>
          %dma_start3A = arith.constant 0 : i32
          %dma_start3A_37 = tpu.memref_slice %arg7[%run_scoped3A_35, %dma_start3A] : memref<1x80xi32, #tpu.memory_space<vmem>> -> memref<1x80xi32, #tpu.memory_space<vmem>>
          %dma_start3A_38 = tpu.memref_squeeze %dma_start3A_37 : memref<1x80xi32, #tpu.memory_space<vmem>> -> memref<80xi32, #tpu.memory_space<vmem>>
          %dma_start3A_39 = arith.constant 0 : i32
          %dma_start3A_40 = arith.constant 0 : i32
          %dma_start3A_41 = tpu.memref_slice %arg6[%dma_start3A_39, %dma_start3A_40] : memref<100000x256xf32, #tpu.memory_space<hbm>> -> memref<100000x256xf32, #tpu.memory_space<hbm>>
          tpu.enqueue_indirect_dma source(%arg8 : memref<80x256xf32, #tpu.memory_space<vmem>>) target(%dma_start3A_41 : memref<100000x256xf32, #tpu.memory_space<hbm>>) offsets(%dma_start3A_38 : memref<80xi32, #tpu.memory_space<vmem>>) semaphore(%run_scoped3A_36 : memref<!tpu.dma_semaphore, #tpu.memory_space<semaphore_mem>>)
          %dma_wait3A = arith.constant 0 : i32
          %dma_wait3A_42 = tpu.memref_slice %arg7[%run_scoped3A_35, %dma_wait3A] : memref<1x80xi32, #tpu.memory_space<vmem>> -> memref<1x80xi32, #tpu.memory_space<vmem>>
          %dma_wait3A_43 = tpu.memref_squeeze %dma_wait3A_42 : memref<1x80xi32, #tpu.memory_space<vmem>> -> memref<80xi32, #tpu.memory_space<vmem>>
          %dma_wait3A_44 = arith.constant 0 : i32
          %dma_wait3A_45 = arith.constant 0 : i32
          %dma_wait3A_46 = tpu.memref_slice %arg6[%dma_wait3A_44, %dma_wait3A_45] : memref<100000x256xf32, #tpu.memory_space<hbm>> -> memref<100000x256xf32, #tpu.memory_space<hbm>>
          tpu.wait_indirect_dma semaphore(%run_scoped3A_36 : memref<!tpu.dma_semaphore, #tpu.memory_space<semaphore_mem>>) src(%arg8 : memref<80x256xf32, #tpu.memory_space<vmem>>) dst(%dma_wait3A_46 : memref<100000x256xf32, #tpu.memory_space<hbm>>)
          tpu.yield
        }) : () -> ()
      } else {
      }
      %scan3A_28 = arith.constant 0 : i32
      scf.yield %scan3A_28 : i32
    }
    %scan3A_20 = arith.constant 8 : i32
    return
  }
}

#map = affine_map<(d0, d1) -> (0)>
module attributes {stable_mosaic.version = 14 : i64} {
  func.func @_rank_kernel(%arg0: i32, %arg1: i32, %arg2: memref<100000xi32, #tpu.memory_space<hbm>>, %arg3: memref<100016xi32, #tpu.memory_space<hbm>>, %arg4: memref<4000xi32, #tpu.memory_space<vmem>>, %arg5: memref<3136xi32, #tpu.memory_space<vmem>>, %arg6: memref<800x128xi32, #tpu.memory_space<vmem>>, %arg7: memref<128xi32, #tpu.memory_space<vmem>>) attributes {dimension_semantics = [#tpu.dimension_semantics<core_parallel>, #tpu.dimension_semantics<subcore_parallel>], iteration_bounds = array<i64: 2, 16>, scalar_prefetch = 0 : i64, scratch_operands = 4 : i64, tpu.core_type = #tpu.core_type<sc_vector_subcore>, window_params = [{transform_indices = #map}, {transform_indices = #map}]} {
    %mul3A = arith.constant 2 : i32
    %mul3A_0 = arith.muli %arg1, %mul3A : i32
    %add3A = arith.addi %mul3A_0, %arg0 : i32
    %mul3A_1 = arith.constant 3125 : i32
    %mul3A_2 = arith.muli %add3A, %mul3A_1 : i32
    %add3A_3 = arith.constant 3125 : i32
    %add3A_4 = arith.addi %mul3A_2, %add3A_3 : i32
    %iota3A = tpu.iota {dimensions = array<i32: 0>} : vector<16xi32>
    %broadcast_in_dim3A = arith.constant 0 : i32
    %broadcast_in_dim3A_5 = vector.broadcast %broadcast_in_dim3A : i32 to vector<16xi32>
    %broadcast_in_dim3A_6 = arith.constant true
    %broadcast_in_dim3A_7 = vector.broadcast %broadcast_in_dim3A_6 : i1 to vector<16xi1>
    %unique3A, %unique3A_8 = tpu.scan_count mask(%broadcast_in_dim3A_7 : vector<16xi1>) value(%broadcast_in_dim3A_5 : vector<16xi32>) : vector<16xi1>, vector<16xi32>
    %reduce_min3A = arith.constant true
    %reduce_min3A_9 = vector.broadcast %reduce_min3A : i1 to vector<16xi1>
    %reduce_min3A_10 = arith.constant -2147483648 : i32
    %reduce_min3A_11 = vector.broadcast %reduce_min3A_10 : i32 to vector<16xi32>
    %reduce_min3A_12 = arith.xori %unique3A_8, %reduce_min3A_11 : vector<16xi32>
    %reduce_min3A_13 = tpu.scan <min>, %reduce_min3A_12 masked %reduce_min3A_9 : vector<16xi32>, vector<16xi1> -> vector<16xi32>
    %reduce_min3A_14 = arith.xori %reduce_min3A_13, %reduce_min3A_11 : vector<16xi32>
    %reduce_min3A_15 = vector.extract %reduce_min3A_14[15] : i32 from vector<16xi32>
    %scan3A = arith.constant 0 : i32
    %scan3A_16 = arith.constant 0 : i32
    %scan3A_17 = arith.constant 196 : i32
    %scan3A_18 = arith.addi %scan3A_16, %scan3A_17 : i32
    %scan3A_19 = arith.constant 1 : i32
    %scan3A_20 = scf.for %scan3A_82 = %scan3A_16 to %scan3A_18 step %scan3A_19 iter_args(%scan3A_83 = %scan3A) -> (i32)  : i32 {
      %broadcast_in_dim3A_84 = arith.constant 0 : i32
      %broadcast_in_dim3A_85 = vector.broadcast %broadcast_in_dim3A_84 : i32 to vector<16xi32>
      %mul3A_86 = arith.constant 16 : i32
      %mul3A_87 = arith.muli %scan3A_82, %mul3A_86 : i32
      %swap3A = arith.index_cast %mul3A_87 : i32 to index
      %swap3A_88 = tpu.vector_load %arg5[%swap3A] {strides = array<i32>} : memref<3136xi32, #tpu.memory_space<vmem>>, vector<16xi32>,
      tpu.vector_store %arg5[%swap3A], %broadcast_in_dim3A_85 {strides = array<i32>} : memref<3136xi32, #tpu.memory_space<vmem>>, vector<16xi32>,
      %scan3A_89 = arith.constant 0 : i32
      scf.yield %scan3A_89 : i32
    }
    %scan3A_21 = arith.constant 196 : i32
    %broadcast_in_dim3A_22 = arith.constant 0 : i32
    %broadcast_in_dim3A_23 = vector.broadcast %broadcast_in_dim3A_22 : i32 to vector<16xi32>
    %scan3A_24 = arith.constant 0 : i32
    %scan3A_25 = arith.constant 25 : i32
    %scan3A_26 = arith.addi %scan3A_24, %scan3A_25 : i32
    %scan3A_27 = arith.constant 1 : i32
    %scan3A_28 = scf.for %scan3A_82 = %scan3A_24 to %scan3A_26 step %scan3A_27 iter_args(%scan3A_83 = %broadcast_in_dim3A_23) -> (vector<16xi32>)  : i32 {
      %mul3A_84 = arith.constant 4000 : i32
      %mul3A_85 = arith.muli %scan3A_82, %mul3A_84 : i32
      "tpu.region"() ({
        %run_scoped3A = tpu.sem_alloc : memref<!tpu.dma_semaphore, #tpu.memory_space<semaphore_mem>>
        %dma_start3A = tpu.memref_slice %arg2[%mul3A_85] : memref<100000xi32, #tpu.memory_space<hbm>> -> memref<4000xi32, #tpu.memory_space<hbm>>
        %dma_start3A_92 = tpu.memref_slice %arg2[%mul3A_85] : memref<100000xi32, #tpu.memory_space<hbm>> -> memref<4000xi32, #tpu.memory_space<hbm>>
        tpu.enqueue_dma source(%dma_start3A_92 : memref<4000xi32, #tpu.memory_space<hbm>>) target(%arg4 : memref<4000xi32, #tpu.memory_space<vmem>>) target_semaphore(%run_scoped3A : memref<!tpu.dma_semaphore, #tpu.memory_space<semaphore_mem>>)
        %dma_wait3A = tpu.memref_slice %arg2[%mul3A_85] : memref<100000xi32, #tpu.memory_space<hbm>> -> memref<4000xi32, #tpu.memory_space<hbm>>
        %dma_wait3A_93 = tpu.memref_slice %arg2[%mul3A_85] : memref<100000xi32, #tpu.memory_space<hbm>> -> memref<4000xi32, #tpu.memory_space<hbm>>
        tpu.wait_dma2 semaphore(%run_scoped3A : memref<!tpu.dma_semaphore, #tpu.memory_space<semaphore_mem>>) src(%dma_wait3A_93 : memref<4000xi32, #tpu.memory_space<hbm>>) dst(%arg4 : memref<4000xi32, #tpu.memory_space<vmem>>)
        tpu.yield
      }) : () -> ()
      %scan3A_86 = arith.constant 0 : i32
      %scan3A_87 = arith.constant 250 : i32
      %scan3A_88 = arith.addi %scan3A_86, %scan3A_87 : i32
      %scan3A_89 = arith.constant 1 : i32
      %scan3A_90 = scf.for %scan3A_92 = %scan3A_86 to %scan3A_88 step %scan3A_89 iter_args(%scan3A_93 = %scan3A_83) -> (vector<16xi32>)  : i32 {
        %mul3A_94 = arith.constant 16 : i32
        %mul3A_95 = arith.muli %scan3A_92, %mul3A_94 : i32
        %get3A = arith.index_cast %mul3A_95 : i32 to index
        %get3A_96 = tpu.vector_load %arg4[%get3A] {strides = array<i32>} : memref<4000xi32, #tpu.memory_space<vmem>>, vector<16xi32>,
        %ge3A = vector.broadcast %mul3A_2 : i32 to vector<16xi32>
        %ge3A_97 = arith.cmpi sge, %get3A_96, %ge3A : vector<16xi32>
        %lt3A = vector.broadcast %add3A_4 : i32 to vector<16xi32>
        %lt3A_98 = arith.cmpi slt, %get3A_96, %lt3A : vector<16xi32>
        %and3A_99 = arith.andi %ge3A_97, %lt3A_98 : vector<16xi1>
        %unique3A_100, %unique3A_101 = tpu.scan_count mask(%and3A_99 : vector<16xi1>) value(%get3A_96 : vector<16xi32>) : vector<16xi1>, vector<16xi32>
        %sub3A_102 = vector.broadcast %mul3A_2 : i32 to vector<16xi32>
        %sub3A_103 = arith.subi %get3A_96, %sub3A_102 : vector<16xi32>
        %sub3A_104 = vector.broadcast %reduce_min3A_15 : i32 to vector<16xi32>
        %sub3A_105 = arith.subi %unique3A_101, %sub3A_104 : vector<16xi32>
        %add3A_106 = arith.constant 1 : i32
        %add3A_107 = vector.broadcast %add3A_106 : i32 to vector<16xi32>
        %add3A_108 = arith.addi %sub3A_105, %add3A_107 : vector<16xi32>
        tpu.vector_store_idx %arg5[%sub3A_103], %add3A_108 masked %unique3A_100 {add = true} : memref<3136xi32, #tpu.memory_space<vmem>>[vector<16xi32>], vector<16xi32>, vector<16xi1>
        %lt3A_109 = vector.broadcast %mul3A_2 : i32 to vector<16xi32>
        %lt3A_110 = arith.cmpi slt, %get3A_96, %lt3A_109 : vector<16xi32>
        %all_reduce_population_count3A = tpu.all_reduce %lt3A_110 {dim = 0 : i64, kind = #tpu.reduction_kind<sum>} : vector<16xi1> -> vector<16xi32>
        %add3A_111 = arith.addi %scan3A_93, %all_reduce_population_count3A : vector<16xi32>
        scf.yield %add3A_111 : vector<16xi32>
      }
      %scan3A_91 = arith.constant 250 : i32
      scf.yield %scan3A_90 : vector<16xi32>
    }
    %scan3A_29 = arith.constant 25 : i32
    %reduce_max3A = arith.constant true
    %reduce_max3A_30 = vector.broadcast %reduce_max3A : i1 to vector<16xi1>
    %reduce_max3A_31 = arith.constant -2147483648 : i32
    %reduce_max3A_32 = vector.broadcast %reduce_max3A_31 : i32 to vector<16xi32>
    %reduce_max3A_33 = arith.xori %scan3A_28, %reduce_max3A_32 : vector<16xi32>
    %reduce_max3A_34 = tpu.scan <max>, %reduce_max3A_33 masked %reduce_max3A_30 : vector<16xi32>, vector<16xi1> -> vector<16xi32>
    %reduce_max3A_35 = arith.xori %reduce_max3A_34, %reduce_max3A_32 : vector<16xi32>
    %reduce_max3A_36 = vector.extract %reduce_max3A_35[15] : i32 from vector<16xi32>
    %scan3A_37 = arith.constant 0 : i32
    %scan3A_38 = arith.constant 196 : i32
    %scan3A_39 = arith.addi %scan3A_37, %scan3A_38 : i32
    %scan3A_40 = arith.constant 1 : i32
    %scan3A_41 = scf.for %scan3A_82 = %scan3A_37 to %scan3A_39 step %scan3A_40 iter_args(%scan3A_83 = %reduce_max3A_36) -> (i32)  : i32 {
      %mul3A_84 = arith.constant 16 : i32
      %mul3A_85 = arith.muli %scan3A_82, %mul3A_84 : i32
      %get3A = arith.index_cast %mul3A_85 : i32 to index
      %get3A_86 = tpu.vector_load %arg5[%get3A] {strides = array<i32>} : memref<3136xi32, #tpu.memory_space<vmem>>, vector<16xi32>,
      %broadcast_in_dim3A_87 = arith.constant true
      %broadcast_in_dim3A_88 = vector.broadcast %broadcast_in_dim3A_87 : i1 to vector<16xi1>
      %masked_cumsum3A = tpu.scan <sum>, %get3A_86 masked %broadcast_in_dim3A_88 : vector<16xi32>, vector<16xi1> -> vector<16xi32>
      %sub3A_89 = arith.subi %masked_cumsum3A, %get3A_86 : vector<16xi32>
      %add3A_90 = vector.broadcast %scan3A_83 : i32 to vector<16xi32>
      %add3A_91 = arith.addi %sub3A_89, %add3A_90 : vector<16xi32>
      %mul3A_92 = arith.constant 16 : i32
      %mul3A_93 = arith.muli %scan3A_82, %mul3A_92 : i32
      %swap3A = arith.index_cast %mul3A_93 : i32 to index
      %swap3A_94 = tpu.vector_load %arg5[%swap3A] {strides = array<i32>} : memref<3136xi32, #tpu.memory_space<vmem>>, vector<16xi32>,
      tpu.vector_store %arg5[%swap3A], %add3A_91 {strides = array<i32>} : memref<3136xi32, #tpu.memory_space<vmem>>, vector<16xi32>,
      %reduce_max3A_95 = arith.constant true
      %reduce_max3A_96 = vector.broadcast %reduce_max3A_95 : i1 to vector<16xi1>
      %reduce_max3A_97 = arith.constant -2147483648 : i32
      %reduce_max3A_98 = vector.broadcast %reduce_max3A_97 : i32 to vector<16xi32>
      %reduce_max3A_99 = arith.xori %masked_cumsum3A, %reduce_max3A_98 : vector<16xi32>
      %reduce_max3A_100 = tpu.scan <max>, %reduce_max3A_99 masked %reduce_max3A_96 : vector<16xi32>, vector<16xi1> -> vector<16xi32>
      %reduce_max3A_101 = arith.xori %reduce_max3A_100, %reduce_max3A_98 : vector<16xi32>
      %reduce_max3A_102 = vector.extract %reduce_max3A_101[15] : i32 from vector<16xi32>
      %add3A_103 = arith.addi %scan3A_83, %reduce_max3A_102 : i32
      scf.yield %add3A_103 : i32
    }
    %scan3A_42 = arith.constant 196 : i32
    %sub3A = arith.subi %scan3A_41, %reduce_max3A_36 : i32
    %scan3A_43 = arith.constant 0 : i32
    %scan3A_44 = arith.constant 0 : i32
    %scan3A_45 = arith.constant 25 : i32
    %scan3A_46 = arith.addi %scan3A_44, %scan3A_45 : i32
    %scan3A_47 = arith.constant 1 : i32
    %scan3A_48 = scf.for %scan3A_82 = %scan3A_44 to %scan3A_46 step %scan3A_47 iter_args(%scan3A_83 = %scan3A_43) -> (i32)  : i32 {
      %mul3A_84 = arith.constant 4000 : i32
      %mul3A_85 = arith.muli %scan3A_82, %mul3A_84 : i32
      "tpu.region"() ({
        %run_scoped3A = tpu.sem_alloc : memref<!tpu.dma_semaphore, #tpu.memory_space<semaphore_mem>>
        %dma_start3A = tpu.memref_slice %arg2[%mul3A_85] : memref<100000xi32, #tpu.memory_space<hbm>> -> memref<4000xi32, #tpu.memory_space<hbm>>
        %dma_start3A_94 = tpu.memref_slice %arg2[%mul3A_85] : memref<100000xi32, #tpu.memory_space<hbm>> -> memref<4000xi32, #tpu.memory_space<hbm>>
        tpu.enqueue_dma source(%dma_start3A_94 : memref<4000xi32, #tpu.memory_space<hbm>>) target(%arg4 : memref<4000xi32, #tpu.memory_space<vmem>>) target_semaphore(%run_scoped3A : memref<!tpu.dma_semaphore, #tpu.memory_space<semaphore_mem>>)
        %dma_wait3A = tpu.memref_slice %arg2[%mul3A_85] : memref<100000xi32, #tpu.memory_space<hbm>> -> memref<4000xi32, #tpu.memory_space<hbm>>
        %dma_wait3A_95 = tpu.memref_slice %arg2[%mul3A_85] : memref<100000xi32, #tpu.memory_space<hbm>> -> memref<4000xi32, #tpu.memory_space<hbm>>
        tpu.wait_dma2 semaphore(%run_scoped3A : memref<!tpu.dma_semaphore, #tpu.memory_space<semaphore_mem>>) src(%dma_wait3A_95 : memref<4000xi32, #tpu.memory_space<hbm>>) dst(%arg4 : memref<4000xi32, #tpu.memory_space<vmem>>)
        tpu.yield
      }) : () -> ()
      %scan3A_86 = arith.constant 0 : i32
      %scan3A_87 = arith.constant 0 : i32
      %scan3A_88 = arith.constant 250 : i32
      %scan3A_89 = arith.addi %scan3A_87, %scan3A_88 : i32
      %scan3A_90 = arith.constant 1 : i32
      %scan3A_91 = scf.for %scan3A_94 = %scan3A_87 to %scan3A_89 step %scan3A_90 iter_args(%scan3A_95 = %scan3A_86) -> (i32)  : i32 {
        %mul3A_96 = arith.constant 16 : i32
        %mul3A_97 = arith.muli %scan3A_94, %mul3A_96 : i32
        %get3A = arith.index_cast %mul3A_97 : i32 to index
        %get3A_98 = tpu.vector_load %arg4[%get3A] {strides = array<i32>} : memref<4000xi32, #tpu.memory_space<vmem>>, vector<16xi32>,
        %ge3A = vector.broadcast %mul3A_2 : i32 to vector<16xi32>
        %ge3A_99 = arith.cmpi sge, %get3A_98, %ge3A : vector<16xi32>
        %lt3A = vector.broadcast %add3A_4 : i32 to vector<16xi32>
        %lt3A_100 = arith.cmpi slt, %get3A_98, %lt3A : vector<16xi32>
        %and3A_101 = arith.andi %ge3A_99, %lt3A_100 : vector<16xi1>
        %sub3A_102 = vector.broadcast %mul3A_2 : i32 to vector<16xi32>
        %sub3A_103 = arith.subi %get3A_98, %sub3A_102 : vector<16xi32>
        %gather3A = tpu.vector_load_idx %arg5[%sub3A_103] masked %and3A_101 : memref<3136xi32, #tpu.memory_space<vmem>>[vector<16xi32>], vector<16xi32>, vector<16xi1>
        %unique3A_104, %unique3A_105 = tpu.scan_count mask(%and3A_101 : vector<16xi1>) value(%get3A_98 : vector<16xi32>) : vector<16xi1>, vector<16xi32>
        %sub3A_106 = vector.broadcast %reduce_min3A_15 : i32 to vector<16xi32>
        %sub3A_107 = arith.subi %unique3A_105, %sub3A_106 : vector<16xi32>
        %add3A_108 = arith.addi %gather3A, %sub3A_107 : vector<16xi32>
        %sub3A_109 = vector.broadcast %reduce_max3A_36 : i32 to vector<16xi32>
        %sub3A_110 = arith.subi %add3A_108, %sub3A_109 : vector<16xi32>
        %mul3A_111 = arith.constant 4000 : i32
        %mul3A_112 = arith.muli %scan3A_82, %mul3A_111 : i32
        %mul3A_113 = arith.constant 16 : i32
        %mul3A_114 = arith.muli %scan3A_94, %mul3A_113 : i32
        %add3A_115 = arith.addi %mul3A_112, %mul3A_114 : i32
        %add3A_116 = vector.broadcast %add3A_115 : i32 to vector<16xi32>
        %add3A_117 = arith.addi %add3A_116, %iota3A : vector<16xi32>
        %shift_right_logical3A = arith.constant 7 : i32
        %shift_right_logical3A_118 = vector.broadcast %shift_right_logical3A : i32 to vector<16xi32>
        %shift_right_logical3A_119 = arith.shrui %sub3A_110, %shift_right_logical3A_118 : vector<16xi32>
        %and3A_120 = arith.constant 127 : i32
        %and3A_121 = vector.broadcast %and3A_120 : i32 to vector<16xi32>
        %and3A_122 = arith.andi %sub3A_110, %and3A_121 : vector<16xi32>
        tpu.vector_store_idx %arg6[%shift_right_logical3A_119, %and3A_122], %add3A_117 masked %and3A_101 : memref<800x128xi32, #tpu.memory_space<vmem>>[vector<16xi32>, vector<16xi32>], vector<16xi32>, vector<16xi1>
        %sub3A_123 = vector.broadcast %reduce_min3A_15 : i32 to vector<16xi32>
        %sub3A_124 = arith.subi %unique3A_105, %sub3A_123 : vector<16xi32>
        %add3A_125 = arith.constant 1 : i32
        %add3A_126 = vector.broadcast %add3A_125 : i32 to vector<16xi32>
        %add3A_127 = arith.addi %sub3A_124, %add3A_126 : vector<16xi32>
        tpu.vector_store_idx %arg5[%sub3A_103], %add3A_127 masked %unique3A_104 {add = true} : memref<3136xi32, #tpu.memory_space<vmem>>[vector<16xi32>], vector<16xi32>, vector<16xi1>
        %scan3A_128 = arith.constant 0 : i32
        scf.yield %scan3A_128 : i32
      }
      %scan3A_92 = arith.constant 250 : i32
      %scan3A_93 = arith.constant 0 : i32
      scf.yield %scan3A_93 : i32
    }
    %scan3A_49 = arith.constant 25 : i32
    %add3A_50 = arith.constant 127 : i32
    %add3A_51 = arith.addi %sub3A, %add3A_50 : i32
    %jit3A = arith.constant 128 : i32
    %div3A = arith.divsi %add3A_51, %jit3A : i32
    %sign3A = arith.constant 0 : i32
    %sign3A_52 = arith.cmpi sgt, %add3A_51, %sign3A : i32
    %sign3A_53 = arith.extui %sign3A_52 : i1 to i32
    %sign3A_54 = arith.constant 0 : i32
    %sign3A_55 = arith.cmpi slt, %add3A_51, %sign3A_54 : i32
    %sign3A_56 = arith.extui %sign3A_55 : i1 to i32
    %sign3A_57 = arith.subi %sign3A_53, %sign3A_56 : i32
    %sign3A_58 = arith.constant 0 : i32
    %sign3A_59 = arith.cmpi sgt, %jit3A, %sign3A_58 : i32
    %sign3A_60 = arith.extui %sign3A_59 : i1 to i32
    %sign3A_61 = arith.constant 0 : i32
    %sign3A_62 = arith.cmpi slt, %jit3A, %sign3A_61 : i32
    %sign3A_63 = arith.extui %sign3A_62 : i1 to i32
    %sign3A_64 = arith.subi %sign3A_60, %sign3A_63 : i32
    %ne3A = arith.cmpi ne, %sign3A_57, %sign3A_64 : i32
    %rem3A = arith.remsi %add3A_51, %jit3A : i32
    %ne3A_65 = arith.constant 0 : i32
    %ne3A_66 = arith.cmpi ne, %rem3A, %ne3A_65 : i32
    %and3A = arith.andi %ne3A, %ne3A_66 : i1
    %sub3A_67 = arith.constant 1 : i32
    %sub3A_68 = arith.subi %div3A, %sub3A_67 : i32
    %select_n3A = arith.select %and3A, %sub3A_68, %div3A : i32
    %gt3A = arith.constant 0 : i32
    %gt3A_69 = arith.cmpi sgt, %sub3A, %gt3A : i32
    %convert_element_type3A = arith.extui %gt3A_69 : i1 to i32
    %cond3A = arith.constant 0 : i32
    %cond3A_70 = arith.cmpi ne, %convert_element_type3A, %cond3A : i32
    scf.if %cond3A_70 {
      %sub3A_82 = arith.constant 1 : i32
      %sub3A_83 = arith.subi %select_n3A, %sub3A_82 : i32
      %mul3A_84 = arith.constant 128 : i32
      %mul3A_85 = arith.muli %sub3A_83, %mul3A_84 : i32
      %add3A_86 = arith.constant 0 : i32
      %add3A_87 = arith.addi %mul3A_85, %add3A_86 : i32
      %add3A_88 = vector.broadcast %add3A_87 : i32 to vector<16xi32>
      %add3A_89 = arith.addi %add3A_88, %iota3A : vector<16xi32>
      %lt3A = vector.broadcast %sub3A : i32 to vector<16xi32>
      %lt3A_90 = arith.cmpi slt, %add3A_89, %lt3A : vector<16xi32>
      %get3A = arith.index_cast %sub3A_83 : i32 to index
      %get3A_91 = arith.constant 0 : index
      %get3A_92 = tpu.vector_load %arg6[%get3A, %get3A_91] {strides = array<i32>} : memref<800x128xi32, #tpu.memory_space<vmem>>, vector<16xi32>,
      %add3A_93 = arith.constant 100000 : i32
      %add3A_94 = vector.broadcast %add3A_93 : i32 to vector<16xi32>
      %add3A_95 = arith.addi %add3A_94, %iota3A : vector<16xi32>
      %select_n3A_96 = arith.select %lt3A_90, %get3A_92, %add3A_95 : vector<16xi1>, vector<16xi32>
      %swap3A = arith.index_cast %sub3A_83 : i32 to index
      %swap3A_97 = arith.constant 0 : index
      %swap3A_98 = tpu.vector_load %arg6[%swap3A, %swap3A_97] {strides = array<i32>} : memref<800x128xi32, #tpu.memory_space<vmem>>, vector<16xi32>,
      tpu.vector_store %arg6[%swap3A, %swap3A_97], %select_n3A_96 {strides = array<i32>} : memref<800x128xi32, #tpu.memory_space<vmem>>, vector<16xi32>,
      %mul3A_99 = arith.constant 128 : i32
      %mul3A_100 = arith.muli %sub3A_83, %mul3A_99 : i32
      %add3A_101 = arith.constant 16 : i32
      %add3A_102 = arith.addi %mul3A_100, %add3A_101 : i32
      %add3A_103 = vector.broadcast %add3A_102 : i32 to vector<16xi32>
      %add3A_104 = arith.addi %add3A_103, %iota3A : vector<16xi32>
      %lt3A_105 = vector.broadcast %sub3A : i32 to vector<16xi32>
      %lt3A_106 = arith.cmpi slt, %add3A_104, %lt3A_105 : vector<16xi32>
      %get3A_107 = arith.index_cast %sub3A_83 : i32 to index
      %get3A_108 = arith.constant 16 : index
      %get3A_109 = tpu.vector_load %arg6[%get3A_107, %get3A_108] {strides = array<i32>} : memref<800x128xi32, #tpu.memory_space<vmem>>, vector<16xi32>,
      %add3A_110 = arith.constant 100000 : i32
      %add3A_111 = vector.broadcast %add3A_110 : i32 to vector<16xi32>
      %add3A_112 = arith.addi %add3A_111, %iota3A : vector<16xi32>
      %select_n3A_113 = arith.select %lt3A_106, %get3A_109, %add3A_112 : vector<16xi1>, vector<16xi32>
      %swap3A_114 = arith.index_cast %sub3A_83 : i32 to index
      %swap3A_115 = arith.constant 16 : index
      %swap3A_116 = tpu.vector_load %arg6[%swap3A_114, %swap3A_115] {strides = array<i32>} : memref<800x128xi32, #tpu.memory_space<vmem>>, vector<16xi32>,
      tpu.vector_store %arg6[%swap3A_114, %swap3A_115], %select_n3A_113 {strides = array<i32>} : memref<800x128xi32, #tpu.memory_space<vmem>>, vector<16xi32>,
      %mul3A_117 = arith.constant 128 : i32
      %mul3A_118 = arith.muli %sub3A_83, %mul3A_117 : i32
      %add3A_119 = arith.constant 32 : i32
      %add3A_120 = arith.addi %mul3A_118, %add3A_119 : i32
      %add3A_121 = vector.broadcast %add3A_120 : i32 to vector<16xi32>
      %add3A_122 = arith.addi %add3A_121, %iota3A : vector<16xi32>
      %lt3A_123 = vector.broadcast %sub3A : i32 to vector<16xi32>
      %lt3A_124 = arith.cmpi slt, %add3A_122, %lt3A_123 : vector<16xi32>
      %get3A_125 = arith.index_cast %sub3A_83 : i32 to index
      %get3A_126 = arith.constant 32 : index
      %get3A_127 = tpu.vector_load %arg6[%get3A_125, %get3A_126] {strides = array<i32>} : memref<800x128xi32, #tpu.memory_space<vmem>>, vector<16xi32>,
      %add3A_128 = arith.constant 100000 : i32
      %add3A_129 = vector.broadcast %add3A_128 : i32 to vector<16xi32>
      %add3A_130 = arith.addi %add3A_129, %iota3A : vector<16xi32>
      %select_n3A_131 = arith.select %lt3A_124, %get3A_127, %add3A_130 : vector<16xi1>, vector<16xi32>
      %swap3A_132 = arith.index_cast %sub3A_83 : i32 to index
      %swap3A_133 = arith.constant 32 : index
      %swap3A_134 = tpu.vector_load %arg6[%swap3A_132, %swap3A_133] {strides = array<i32>} : memref<800x128xi32, #tpu.memory_space<vmem>>, vector<16xi32>,
      tpu.vector_store %arg6[%swap3A_132, %swap3A_133], %select_n3A_131 {strides = array<i32>} : memref<800x128xi32, #tpu.memory_space<vmem>>, vector<16xi32>,
      %mul3A_135 = arith.constant 128 : i32
      %mul3A_136 = arith.muli %sub3A_83, %mul3A_135 : i32
      %add3A_137 = arith.constant 48 : i32
      %add3A_138 = arith.addi %mul3A_136, %add3A_137 : i32
      %add3A_139 = vector.broadcast %add3A_138 : i32 to vector<16xi32>
      %add3A_140 = arith.addi %add3A_139, %iota3A : vector<16xi32>
      %lt3A_141 = vector.broadcast %sub3A : i32 to vector<16xi32>
      %lt3A_142 = arith.cmpi slt, %add3A_140, %lt3A_141 : vector<16xi32>
      %get3A_143 = arith.index_cast %sub3A_83 : i32 to index
      %get3A_144 = arith.constant 48 : index
      %get3A_145 = tpu.vector_load %arg6[%get3A_143, %get3A_144] {strides = array<i32>} : memref<800x128xi32, #tpu.memory_space<vmem>>, vector<16xi32>,
      %add3A_146 = arith.constant 100000 : i32
      %add3A_147 = vector.broadcast %add3A_146 : i32 to vector<16xi32>
      %add3A_148 = arith.addi %add3A_147, %iota3A : vector<16xi32>
      %select_n3A_149 = arith.select %lt3A_142, %get3A_145, %add3A_148 : vector<16xi1>, vector<16xi32>
      %swap3A_150 = arith.index_cast %sub3A_83 : i32 to index
      %swap3A_151 = arith.constant 48 : index
      %swap3A_152 = tpu.vector_load %arg6[%swap3A_150, %swap3A_151] {strides = array<i32>} : memref<800x128xi32, #tpu.memory_space<vmem>>, vector<16xi32>,
      tpu.vector_store %arg6[%swap3A_150, %swap3A_151], %select_n3A_149 {strides = array<i32>} : memref<800x128xi32, #tpu.memory_space<vmem>>, vector<16xi32>,
      %mul3A_153 = arith.constant 128 : i32
      %mul3A_154 = arith.muli %sub3A_83, %mul3A_153 : i32
      %add3A_155 = arith.constant 64 : i32
      %add3A_156 = arith.addi %mul3A_154, %add3A_155 : i32
      %add3A_157 = vector.broadcast %add3A_156 : i32 to vector<16xi32>
      %add3A_158 = arith.addi %add3A_157, %iota3A : vector<16xi32>
      %lt3A_159 = vector.broadcast %sub3A : i32 to vector<16xi32>
      %lt3A_160 = arith.cmpi slt, %add3A_158, %lt3A_159 : vector<16xi32>
      %get3A_161 = arith.index_cast %sub3A_83 : i32 to index
      %get3A_162 = arith.constant 64 : index
      %get3A_163 = tpu.vector_load %arg6[%get3A_161, %get3A_162] {strides = array<i32>} : memref<800x128xi32, #tpu.memory_space<vmem>>, vector<16xi32>,
      %add3A_164 = arith.constant 100000 : i32
      %add3A_165 = vector.broadcast %add3A_164 : i32 to vector<16xi32>
      %add3A_166 = arith.addi %add3A_165, %iota3A : vector<16xi32>
      %select_n3A_167 = arith.select %lt3A_160, %get3A_163, %add3A_166 : vector<16xi1>, vector<16xi32>
      %swap3A_168 = arith.index_cast %sub3A_83 : i32 to index
      %swap3A_169 = arith.constant 64 : index
      %swap3A_170 = tpu.vector_load %arg6[%swap3A_168, %swap3A_169] {strides = array<i32>} : memref<800x128xi32, #tpu.memory_space<vmem>>, vector<16xi32>,
      tpu.vector_store %arg6[%swap3A_168, %swap3A_169], %select_n3A_167 {strides = array<i32>} : memref<800x128xi32, #tpu.memory_space<vmem>>, vector<16xi32>,
      %mul3A_171 = arith.constant 128 : i32
      %mul3A_172 = arith.muli %sub3A_83, %mul3A_171 : i32
      %add3A_173 = arith.constant 80 : i32
      %add3A_174 = arith.addi %mul3A_172, %add3A_173 : i32
      %add3A_175 = vector.broadcast %add3A_174 : i32 to vector<16xi32>
      %add3A_176 = arith.addi %add3A_175, %iota3A : vector<16xi32>
      %lt3A_177 = vector.broadcast %sub3A : i32 to vector<16xi32>
      %lt3A_178 = arith.cmpi slt, %add3A_176, %lt3A_177 : vector<16xi32>
      %get3A_179 = arith.index_cast %sub3A_83 : i32 to index
      %get3A_180 = arith.constant 80 : index
      %get3A_181 = tpu.vector_load %arg6[%get3A_179, %get3A_180] {strides = array<i32>} : memref<800x128xi32, #tpu.memory_space<vmem>>, vector<16xi32>,
      %add3A_182 = arith.constant 100000 : i32
      %add3A_183 = vector.broadcast %add3A_182 : i32 to vector<16xi32>
      %add3A_184 = arith.addi %add3A_183, %iota3A : vector<16xi32>
      %select_n3A_185 = arith.select %lt3A_178, %get3A_181, %add3A_184 : vector<16xi1>, vector<16xi32>
      %swap3A_186 = arith.index_cast %sub3A_83 : i32 to index
      %swap3A_187 = arith.constant 80 : index
      %swap3A_188 = tpu.vector_load %arg6[%swap3A_186, %swap3A_187] {strides = array<i32>} : memref<800x128xi32, #tpu.memory_space<vmem>>, vector<16xi32>,
      tpu.vector_store %arg6[%swap3A_186, %swap3A_187], %select_n3A_185 {strides = array<i32>} : memref<800x128xi32, #tpu.memory_space<vmem>>, vector<16xi32>,
      %mul3A_189 = arith.constant 128 : i32
      %mul3A_190 = arith.muli %sub3A_83, %mul3A_189 : i32
      %add3A_191 = arith.constant 96 : i32
      %add3A_192 = arith.addi %mul3A_190, %add3A_191 : i32
      %add3A_193 = vector.broadcast %add3A_192 : i32 to vector<16xi32>
      %add3A_194 = arith.addi %add3A_193, %iota3A : vector<16xi32>
      %lt3A_195 = vector.broadcast %sub3A : i32 to vector<16xi32>
      %lt3A_196 = arith.cmpi slt, %add3A_194, %lt3A_195 : vector<16xi32>
      %get3A_197 = arith.index_cast %sub3A_83 : i32 to index
      %get3A_198 = arith.constant 96 : index
      %get3A_199 = tpu.vector_load %arg6[%get3A_197, %get3A_198] {strides = array<i32>} : memref<800x128xi32, #tpu.memory_space<vmem>>, vector<16xi32>,
      %add3A_200 = arith.constant 100000 : i32
      %add3A_201 = vector.broadcast %add3A_200 : i32 to vector<16xi32>
      %add3A_202 = arith.addi %add3A_201, %iota3A : vector<16xi32>
      %select_n3A_203 = arith.select %lt3A_196, %get3A_199, %add3A_202 : vector<16xi1>, vector<16xi32>
      %swap3A_204 = arith.index_cast %sub3A_83 : i32 to index
      %swap3A_205 = arith.constant 96 : index
      %swap3A_206 = tpu.vector_load %arg6[%swap3A_204, %swap3A_205] {strides = array<i32>} : memref<800x128xi32, #tpu.memory_space<vmem>>, vector<16xi32>,
      tpu.vector_store %arg6[%swap3A_204, %swap3A_205], %select_n3A_203 {strides = array<i32>} : memref<800x128xi32, #tpu.memory_space<vmem>>, vector<16xi32>,
      %mul3A_207 = arith.constant 128 : i32
      %mul3A_208 = arith.muli %sub3A_83, %mul3A_207 : i32
      %add3A_209 = arith.constant 112 : i32
      %add3A_210 = arith.addi %mul3A_208, %add3A_209 : i32
      %add3A_211 = vector.broadcast %add3A_210 : i32 to vector<16xi32>
      %add3A_212 = arith.addi %add3A_211, %iota3A : vector<16xi32>
      %lt3A_213 = vector.broadcast %sub3A : i32 to vector<16xi32>
      %lt3A_214 = arith.cmpi slt, %add3A_212, %lt3A_213 : vector<16xi32>
      %get3A_215 = arith.index_cast %sub3A_83 : i32 to index
      %get3A_216 = arith.constant 112 : index
      %get3A_217 = tpu.vector_load %arg6[%get3A_215, %get3A_216] {strides = array<i32>} : memref<800x128xi32, #tpu.memory_space<vmem>>, vector<16xi32>,
      %add3A_218 = arith.constant 100000 : i32
      %add3A_219 = vector.broadcast %add3A_218 : i32 to vector<16xi32>
      %add3A_220 = arith.addi %add3A_219, %iota3A : vector<16xi32>
      %select_n3A_221 = arith.select %lt3A_214, %get3A_217, %add3A_220 : vector<16xi1>, vector<16xi32>
      %swap3A_222 = arith.index_cast %sub3A_83 : i32 to index
      %swap3A_223 = arith.constant 112 : index
      %swap3A_224 = tpu.vector_load %arg6[%swap3A_222, %swap3A_223] {strides = array<i32>} : memref<800x128xi32, #tpu.memory_space<vmem>>, vector<16xi32>,
      tpu.vector_store %arg6[%swap3A_222, %swap3A_223], %select_n3A_221 {strides = array<i32>} : memref<800x128xi32, #tpu.memory_space<vmem>>, vector<16xi32>,
    } else {
    }
    %while3A = arith.constant 0 : i32
    %while3A_71 = arith.constant 0 : i32
    %while3A_72 = arith.subi %select_n3A, %while3A : i32
    %while3A_73 = arith.addi %while3A, %while3A_72 : i32
    %while3A_74 = arith.constant 1 : i32
    %while3A_75 = arith.divsi %while3A_72, %while3A_74 : i32
    %while3A_76 = arith.muli %while3A_75, %while3A_74 : i32
    %while3A_77 = arith.addi %while3A, %while3A_76 : i32
    %while3A_78 = arith.constant 1 : i32
    %while3A_79 = scf.for %while3A_82 = %while3A to %while3A_77 step %while3A_78 iter_args(%while3A_83 = %while3A_71) -> (i32)  : i32 {
      %mul3A_84 = arith.constant 128 : i32
      %mul3A_85 = arith.muli %while3A_82, %mul3A_84 : i32
      %add3A_86 = arith.addi %reduce_max3A_36, %mul3A_85 : i32
      %add3A_87 = arith.constant 0 : i32
      %add3A_88 = arith.addi %add3A_86, %add3A_87 : i32
      %add3A_89 = vector.broadcast %add3A_88 : i32 to vector<16xi32>
      %add3A_90 = arith.addi %add3A_89, %iota3A : vector<16xi32>
      %swap3A = arith.constant 0 : index
      %swap3A_91 = tpu.vector_load %arg7[%swap3A] {strides = array<i32>} : memref<128xi32, #tpu.memory_space<vmem>>, vector<16xi32>,
      tpu.vector_store %arg7[%swap3A], %add3A_90 {strides = array<i32>} : memref<128xi32, #tpu.memory_space<vmem>>, vector<16xi32>,
      %mul3A_92 = arith.constant 128 : i32
      %mul3A_93 = arith.muli %while3A_82, %mul3A_92 : i32
      %add3A_94 = arith.addi %reduce_max3A_36, %mul3A_93 : i32
      %add3A_95 = arith.constant 16 : i32
      %add3A_96 = arith.addi %add3A_94, %add3A_95 : i32
      %add3A_97 = vector.broadcast %add3A_96 : i32 to vector<16xi32>
      %add3A_98 = arith.addi %add3A_97, %iota3A : vector<16xi32>
      %swap3A_99 = arith.constant 16 : index
      %swap3A_100 = tpu.vector_load %arg7[%swap3A_99] {strides = array<i32>} : memref<128xi32, #tpu.memory_space<vmem>>, vector<16xi32>,
      tpu.vector_store %arg7[%swap3A_99], %add3A_98 {strides = array<i32>} : memref<128xi32, #tpu.memory_space<vmem>>, vector<16xi32>,
      %mul3A_101 = arith.constant 128 : i32
      %mul3A_102 = arith.muli %while3A_82, %mul3A_101 : i32
      %add3A_103 = arith.addi %reduce_max3A_36, %mul3A_102 : i32
      %add3A_104 = arith.constant 32 : i32
      %add3A_105 = arith.addi %add3A_103, %add3A_104 : i32
      %add3A_106 = vector.broadcast %add3A_105 : i32 to vector<16xi32>
      %add3A_107 = arith.addi %add3A_106, %iota3A : vector<16xi32>
      %swap3A_108 = arith.constant 32 : index
      %swap3A_109 = tpu.vector_load %arg7[%swap3A_108] {strides = array<i32>} : memref<128xi32, #tpu.memory_space<vmem>>, vector<16xi32>,
      tpu.vector_store %arg7[%swap3A_108], %add3A_107 {strides = array<i32>} : memref<128xi32, #tpu.memory_space<vmem>>, vector<16xi32>,
      %mul3A_110 = arith.constant 128 : i32
      %mul3A_111 = arith.muli %while3A_82, %mul3A_110 : i32
      %add3A_112 = arith.addi %reduce_max3A_36, %mul3A_111 : i32
      %add3A_113 = arith.constant 48 : i32
      %add3A_114 = arith.addi %add3A_112, %add3A_113 : i32
      %add3A_115 = vector.broadcast %add3A_114 : i32 to vector<16xi32>
      %add3A_116 = arith.addi %add3A_115, %iota3A : vector<16xi32>
      %swap3A_117 = arith.constant 48 : index
      %swap3A_118 = tpu.vector_load %arg7[%swap3A_117] {strides = array<i32>} : memref<128xi32, #tpu.memory_space<vmem>>, vector<16xi32>,
      tpu.vector_store %arg7[%swap3A_117], %add3A_116 {strides = array<i32>} : memref<128xi32, #tpu.memory_space<vmem>>, vector<16xi32>,
      %mul3A_119 = arith.constant 128 : i32
      %mul3A_120 = arith.muli %while3A_82, %mul3A_119 : i32
      %add3A_121 = arith.addi %reduce_max3A_36, %mul3A_120 : i32
      %add3A_122 = arith.constant 64 : i32
      %add3A_123 = arith.addi %add3A_121, %add3A_122 : i32
      %add3A_124 = vector.broadcast %add3A_123 : i32 to vector<16xi32>
      %add3A_125 = arith.addi %add3A_124, %iota3A : vector<16xi32>
      %swap3A_126 = arith.constant 64 : index
      %swap3A_127 = tpu.vector_load %arg7[%swap3A_126] {strides = array<i32>} : memref<128xi32, #tpu.memory_space<vmem>>, vector<16xi32>,
      tpu.vector_store %arg7[%swap3A_126], %add3A_125 {strides = array<i32>} : memref<128xi32, #tpu.memory_space<vmem>>, vector<16xi32>,
      %mul3A_128 = arith.constant 128 : i32
      %mul3A_129 = arith.muli %while3A_82, %mul3A_128 : i32
      %add3A_130 = arith.addi %reduce_max3A_36, %mul3A_129 : i32
      %add3A_131 = arith.constant 80 : i32
      %add3A_132 = arith.addi %add3A_130, %add3A_131 : i32
      %add3A_133 = vector.broadcast %add3A_132 : i32 to vector<16xi32>
      %add3A_134 = arith.addi %add3A_133, %iota3A : vector<16xi32>
      %swap3A_135 = arith.constant 80 : index
      %swap3A_136 = tpu.vector_load %arg7[%swap3A_135] {strides = array<i32>} : memref<128xi32, #tpu.memory_space<vmem>>, vector<16xi32>,
      tpu.vector_store %arg7[%swap3A_135], %add3A_134 {strides = array<i32>} : memref<128xi32, #tpu.memory_space<vmem>>, vector<16xi32>,
      %mul3A_137 = arith.constant 128 : i32
      %mul3A_138 = arith.muli %while3A_82, %mul3A_137 : i32
      %add3A_139 = arith.addi %reduce_max3A_36, %mul3A_138 : i32
      %add3A_140 = arith.constant 96 : i32
      %add3A_141 = arith.addi %add3A_139, %add3A_140 : i32
      %add3A_142 = vector.broadcast %add3A_141 : i32 to vector<16xi32>
      %add3A_143 = arith.addi %add3A_142, %iota3A : vector<16xi32>
      %swap3A_144 = arith.constant 96 : index
      %swap3A_145 = tpu.vector_load %arg7[%swap3A_144] {strides = array<i32>} : memref<128xi32, #tpu.memory_space<vmem>>, vector<16xi32>,
      tpu.vector_store %arg7[%swap3A_144], %add3A_143 {strides = array<i32>} : memref<128xi32, #tpu.memory_space<vmem>>, vector<16xi32>,
      %mul3A_146 = arith.constant 128 : i32
      %mul3A_147 = arith.muli %while3A_82, %mul3A_146 : i32
      %add3A_148 = arith.addi %reduce_max3A_36, %mul3A_147 : i32
      %add3A_149 = arith.constant 112 : i32
      %add3A_150 = arith.addi %add3A_148, %add3A_149 : i32
      %add3A_151 = vector.broadcast %add3A_150 : i32 to vector<16xi32>
      %add3A_152 = arith.addi %add3A_151, %iota3A : vector<16xi32>
      %swap3A_153 = arith.constant 112 : index
      %swap3A_154 = tpu.vector_load %arg7[%swap3A_153] {strides = array<i32>} : memref<128xi32, #tpu.memory_space<vmem>>, vector<16xi32>,
      tpu.vector_store %arg7[%swap3A_153], %add3A_152 {strides = array<i32>} : memref<128xi32, #tpu.memory_space<vmem>>, vector<16xi32>,
      "tpu.region"() ({
        %run_scoped3A = tpu.sem_alloc : memref<!tpu.dma_semaphore, #tpu.memory_space<semaphore_mem>>
        %dma_start3A = arith.constant 0 : i32
        %dma_start3A_156 = tpu.memref_slice %arg6[%while3A_82, %dma_start3A] : memref<800x128xi32, #tpu.memory_space<vmem>> -> memref<1x128xi32, #tpu.memory_space<vmem>>
        %dma_start3A_157 = tpu.memref_squeeze %dma_start3A_156 : memref<1x128xi32, #tpu.memory_space<vmem>> -> memref<128xi32, #tpu.memory_space<vmem>>
        %dma_start3A_158 = arith.constant 0 : i32
        %dma_start3A_159 = tpu.memref_slice %arg3[%dma_start3A_158] : memref<100016xi32, #tpu.memory_space<hbm>> -> memref<100016xi32, #tpu.memory_space<hbm>>
        tpu.enqueue_indirect_dma source(%arg7 : memref<128xi32, #tpu.memory_space<vmem>>) target(%dma_start3A_159 : memref<100016xi32, #tpu.memory_space<hbm>>) offsets(%dma_start3A_157 : memref<128xi32, #tpu.memory_space<vmem>>) semaphore(%run_scoped3A : memref<!tpu.dma_semaphore, #tpu.memory_space<semaphore_mem>>)
        %dma_wait3A = arith.constant 0 : i32
        %dma_wait3A_160 = tpu.memref_slice %arg6[%while3A_82, %dma_wait3A] : memref<800x128xi32, #tpu.memory_space<vmem>> -> memref<1x128xi32, #tpu.memory_space<vmem>>
        %dma_wait3A_161 = tpu.memref_squeeze %dma_wait3A_160 : memref<1x128xi32, #tpu.memory_space<vmem>> -> memref<128xi32, #tpu.memory_space<vmem>>
        %dma_wait3A_162 = arith.constant 0 : i32
        %dma_wait3A_163 = tpu.memref_slice %arg3[%dma_wait3A_162] : memref<100016xi32, #tpu.memory_space<hbm>> -> memref<100016xi32, #tpu.memory_space<hbm>>
        tpu.wait_indirect_dma semaphore(%run_scoped3A : memref<!tpu.dma_semaphore, #tpu.memory_space<semaphore_mem>>) src(%arg7 : memref<128xi32, #tpu.memory_space<vmem>>) dst(%dma_wait3A_163 : memref<100016xi32, #tpu.memory_space<hbm>>)
        tpu.yield
      }) : () -> ()
      %while3A_155 = arith.constant 0 : i32
      scf.yield %while3A_155 : i32
    }
    %while3A_80 = arith.constant 1 : i32
    %while3A_81 = scf.for %while3A_82 = %while3A_77 to %while3A_73 step %while3A_80 iter_args(%while3A_83 = %while3A_79) -> (i32)  : i32 {
      %mul3A_84 = arith.constant 128 : i32
      %mul3A_85 = arith.muli %while3A_82, %mul3A_84 : i32
      %add3A_86 = arith.addi %reduce_max3A_36, %mul3A_85 : i32
      %add3A_87 = arith.constant 0 : i32
      %add3A_88 = arith.addi %add3A_86, %add3A_87 : i32
      %add3A_89 = vector.broadcast %add3A_88 : i32 to vector<16xi32>
      %add3A_90 = arith.addi %add3A_89, %iota3A : vector<16xi32>
      %swap3A = arith.constant 0 : index
      %swap3A_91 = tpu.vector_load %arg7[%swap3A] {strides = array<i32>} : memref<128xi32, #tpu.memory_space<vmem>>, vector<16xi32>,
      tpu.vector_store %arg7[%swap3A], %add3A_90 {strides = array<i32>} : memref<128xi32, #tpu.memory_space<vmem>>, vector<16xi32>,
      %mul3A_92 = arith.constant 128 : i32
      %mul3A_93 = arith.muli %while3A_82, %mul3A_92 : i32
      %add3A_94 = arith.addi %reduce_max3A_36, %mul3A_93 : i32
      %add3A_95 = arith.constant 16 : i32
      %add3A_96 = arith.addi %add3A_94, %add3A_95 : i32
      %add3A_97 = vector.broadcast %add3A_96 : i32 to vector<16xi32>
      %add3A_98 = arith.addi %add3A_97, %iota3A : vector<16xi32>
      %swap3A_99 = arith.constant 16 : index
      %swap3A_100 = tpu.vector_load %arg7[%swap3A_99] {strides = array<i32>} : memref<128xi32, #tpu.memory_space<vmem>>, vector<16xi32>,
      tpu.vector_store %arg7[%swap3A_99], %add3A_98 {strides = array<i32>} : memref<128xi32, #tpu.memory_space<vmem>>, vector<16xi32>,
      %mul3A_101 = arith.constant 128 : i32
      %mul3A_102 = arith.muli %while3A_82, %mul3A_101 : i32
      %add3A_103 = arith.addi %reduce_max3A_36, %mul3A_102 : i32
      %add3A_104 = arith.constant 32 : i32
      %add3A_105 = arith.addi %add3A_103, %add3A_104 : i32
      %add3A_106 = vector.broadcast %add3A_105 : i32 to vector<16xi32>
      %add3A_107 = arith.addi %add3A_106, %iota3A : vector<16xi32>
      %swap3A_108 = arith.constant 32 : index
      %swap3A_109 = tpu.vector_load %arg7[%swap3A_108] {strides = array<i32>} : memref<128xi32, #tpu.memory_space<vmem>>, vector<16xi32>,
      tpu.vector_store %arg7[%swap3A_108], %add3A_107 {strides = array<i32>} : memref<128xi32, #tpu.memory_space<vmem>>, vector<16xi32>,
      %mul3A_110 = arith.constant 128 : i32
      %mul3A_111 = arith.muli %while3A_82, %mul3A_110 : i32
      %add3A_112 = arith.addi %reduce_max3A_36, %mul3A_111 : i32
      %add3A_113 = arith.constant 48 : i32
      %add3A_114 = arith.addi %add3A_112, %add3A_113 : i32
      %add3A_115 = vector.broadcast %add3A_114 : i32 to vector<16xi32>
      %add3A_116 = arith.addi %add3A_115, %iota3A : vector<16xi32>
      %swap3A_117 = arith.constant 48 : index
      %swap3A_118 = tpu.vector_load %arg7[%swap3A_117] {strides = array<i32>} : memref<128xi32, #tpu.memory_space<vmem>>, vector<16xi32>,
      tpu.vector_store %arg7[%swap3A_117], %add3A_116 {strides = array<i32>} : memref<128xi32, #tpu.memory_space<vmem>>, vector<16xi32>,
      %mul3A_119 = arith.constant 128 : i32
      %mul3A_120 = arith.muli %while3A_82, %mul3A_119 : i32
      %add3A_121 = arith.addi %reduce_max3A_36, %mul3A_120 : i32
      %add3A_122 = arith.constant 64 : i32
      %add3A_123 = arith.addi %add3A_121, %add3A_122 : i32
      %add3A_124 = vector.broadcast %add3A_123 : i32 to vector<16xi32>
      %add3A_125 = arith.addi %add3A_124, %iota3A : vector<16xi32>
      %swap3A_126 = arith.constant 64 : index
      %swap3A_127 = tpu.vector_load %arg7[%swap3A_126] {strides = array<i32>} : memref<128xi32, #tpu.memory_space<vmem>>, vector<16xi32>,
      tpu.vector_store %arg7[%swap3A_126], %add3A_125 {strides = array<i32>} : memref<128xi32, #tpu.memory_space<vmem>>, vector<16xi32>,
      %mul3A_128 = arith.constant 128 : i32
      %mul3A_129 = arith.muli %while3A_82, %mul3A_128 : i32
      %add3A_130 = arith.addi %reduce_max3A_36, %mul3A_129 : i32
      %add3A_131 = arith.constant 80 : i32
      %add3A_132 = arith.addi %add3A_130, %add3A_131 : i32
      %add3A_133 = vector.broadcast %add3A_132 : i32 to vector<16xi32>
      %add3A_134 = arith.addi %add3A_133, %iota3A : vector<16xi32>
      %swap3A_135 = arith.constant 80 : index
      %swap3A_136 = tpu.vector_load %arg7[%swap3A_135] {strides = array<i32>} : memref<128xi32, #tpu.memory_space<vmem>>, vector<16xi32>,
      tpu.vector_store %arg7[%swap3A_135], %add3A_134 {strides = array<i32>} : memref<128xi32, #tpu.memory_space<vmem>>, vector<16xi32>,
      %mul3A_137 = arith.constant 128 : i32
      %mul3A_138 = arith.muli %while3A_82, %mul3A_137 : i32
      %add3A_139 = arith.addi %reduce_max3A_36, %mul3A_138 : i32
      %add3A_140 = arith.constant 96 : i32
      %add3A_141 = arith.addi %add3A_139, %add3A_140 : i32
      %add3A_142 = vector.broadcast %add3A_141 : i32 to vector<16xi32>
      %add3A_143 = arith.addi %add3A_142, %iota3A : vector<16xi32>
      %swap3A_144 = arith.constant 96 : index
      %swap3A_145 = tpu.vector_load %arg7[%swap3A_144] {strides = array<i32>} : memref<128xi32, #tpu.memory_space<vmem>>, vector<16xi32>,
      tpu.vector_store %arg7[%swap3A_144], %add3A_143 {strides = array<i32>} : memref<128xi32, #tpu.memory_space<vmem>>, vector<16xi32>,
      %mul3A_146 = arith.constant 128 : i32
      %mul3A_147 = arith.muli %while3A_82, %mul3A_146 : i32
      %add3A_148 = arith.addi %reduce_max3A_36, %mul3A_147 : i32
      %add3A_149 = arith.constant 112 : i32
      %add3A_150 = arith.addi %add3A_148, %add3A_149 : i32
      %add3A_151 = vector.broadcast %add3A_150 : i32 to vector<16xi32>
      %add3A_152 = arith.addi %add3A_151, %iota3A : vector<16xi32>
      %swap3A_153 = arith.constant 112 : index
      %swap3A_154 = tpu.vector_load %arg7[%swap3A_153] {strides = array<i32>} : memref<128xi32, #tpu.memory_space<vmem>>, vector<16xi32>,
      tpu.vector_store %arg7[%swap3A_153], %add3A_152 {strides = array<i32>} : memref<128xi32, #tpu.memory_space<vmem>>, vector<16xi32>,
      "tpu.region"() ({
        %run_scoped3A = tpu.sem_alloc : memref<!tpu.dma_semaphore, #tpu.memory_space<semaphore_mem>>
        %dma_start3A = arith.constant 0 : i32
        %dma_start3A_156 = tpu.memref_slice %arg6[%while3A_82, %dma_start3A] : memref<800x128xi32, #tpu.memory_space<vmem>> -> memref<1x128xi32, #tpu.memory_space<vmem>>
        %dma_start3A_157 = tpu.memref_squeeze %dma_start3A_156 : memref<1x128xi32, #tpu.memory_space<vmem>> -> memref<128xi32, #tpu.memory_space<vmem>>
        %dma_start3A_158 = arith.constant 0 : i32
        %dma_start3A_159 = tpu.memref_slice %arg3[%dma_start3A_158] : memref<100016xi32, #tpu.memory_space<hbm>> -> memref<100016xi32, #tpu.memory_space<hbm>>
        tpu.enqueue_indirect_dma source(%arg7 : memref<128xi32, #tpu.memory_space<vmem>>) target(%dma_start3A_159 : memref<100016xi32, #tpu.memory_space<hbm>>) offsets(%dma_start3A_157 : memref<128xi32, #tpu.memory_space<vmem>>) semaphore(%run_scoped3A : memref<!tpu.dma_semaphore, #tpu.memory_space<semaphore_mem>>)
        %dma_wait3A = arith.constant 0 : i32
        %dma_wait3A_160 = tpu.memref_slice %arg6[%while3A_82, %dma_wait3A] : memref<800x128xi32, #tpu.memory_space<vmem>> -> memref<1x128xi32, #tpu.memory_space<vmem>>
        %dma_wait3A_161 = tpu.memref_squeeze %dma_wait3A_160 : memref<1x128xi32, #tpu.memory_space<vmem>> -> memref<128xi32, #tpu.memory_space<vmem>>
        %dma_wait3A_162 = arith.constant 0 : i32
        %dma_wait3A_163 = tpu.memref_slice %arg3[%dma_wait3A_162] : memref<100016xi32, #tpu.memory_space<hbm>> -> memref<100016xi32, #tpu.memory_space<hbm>>
        tpu.wait_indirect_dma semaphore(%run_scoped3A : memref<!tpu.dma_semaphore, #tpu.memory_space<semaphore_mem>>) src(%arg7 : memref<128xi32, #tpu.memory_space<vmem>>) dst(%dma_wait3A_163 : memref<100016xi32, #tpu.memory_space<hbm>>)
        tpu.yield
      }) : () -> ()
      %while3A_155 = arith.constant 0 : i32
      scf.yield %while3A_155 : i32
    }
    return
  }
}

</mosaic_0001>

<sc_bundles>
// kernel: kernel.4.cloned.1.call-start
scs
__scs_entry_jumppad:
0x0: {  	(pc) =	sbr.rel $0x88, $3  }
0x1: {  	(tag) =	ssettag $0x0;
	lr =	simm.s32 $0x1  }
0x2: {  	[smem:$0x3F9D] =	sst lr;
	_ =	strace $0xD0000000  }
0x3: {  	_ = 	snop  }
0x4: {  	_ = 	snop  }
0x5: {  	_ = 	snop  }
0x6: {  	_ = 	snop  }
0x7: {  	_ = 	snop  }
__scs_overlays_trampoline_lowered:
0x8: {  	[smem:$0x3FAC] =	sst s0  }
0x9: {  	[smem:$0x3FAD] =	sst s1  }
0xa: {  	[smem:$0x3FAE] =	sst s2  }
0xb: {  	[smem:$0x3FAF] =	sst s3  }
0xc: {  	[smem:$0x3FB0] =	sst s4  }
0xd: {  	[smem:$0x3FB1] =	sst s5  }
0xe: {  	[smem:$0x3FB2] =	sst s6  }
0xf: {  	[smem:$0x3FB3] =	sst s7  }
0x10: {  	[smem:$0x3FB4] =	sst s8  }
0x11: {  	[smem:$0x3FB5] =	sst s9;
	s0 =	simm.s32 @!p0 $0x0  }
0x12: {  	s1 =	sld [smem:$0x3F9B];
	s0 =	simm.s32 @p0 $0x1  }
0x13: {  	[smem:$0x3FB6] =	sst s0;
	s0 =	simm.s32 @!p1 $0x0  }
0x14: {  	s2 =	sld [smem:$0x3F9A];
	s0 =	simm.s32 @p1 $0x1  }
0x15: {  	[smem:$0x3FB7] =	sst s0;
	s0 =	simm.s32 @!p2 $0x0  }
0x16: {  	s3 =	sld [smem:$0x3FDB];
	s0 =	simm.s32 @p2 $0x1  }
0x17: {  	s4 =	simm.s32 $0x1BF5;
	[smem:$0x3FB9] =	sst s0  }
0x18: {  	s0 =	sld [smem:$0x3F9C];
	_ =	swait.ge [sflag:s4], $0x0  }
0x19: {  	s7 =	sld [smem:$0x3F9D]  }
0x1a: {  	s8 =	sadd.s32 $0xFFFFE003, lr  }
0x1b: {  	s9 =	sadd.s32 $0xFFFFFEF7, lr;
	s5 =	simm.s32 $0xFFFFFFFF;
	p2 =	slt.u32 s8, $0xFFFFF086  }
0x1c: {  	p1 =	slt.u32 s9, $0xF7A;
	s5 =	simm.s32 @!p2 $0x0  }
0x1d: {  	s5 =	simm.s32 @p1 $0x1;
	p0 =	seq.s32 s7, s2  }
0x1e: {  	s7 =	smul.u32 @!p0 $0xF7A, s2;
	p2 =	seq.s32 @!p0 s5, $0x0  }
0x1f: {  	s9 =	smul.u32 $0xF7A, s1;
	s8 =	simm.s32 @!p0 $0x1BF5;
	p2 =	por !p2, p0  }
0x20: {  	[sflag:s8] =	ssyncset.s32 @!p0 $0xFFFFF086;
	s6 =	sadd.s32 @!p0 s3, s7;
	s7 =	simm.s32 @!p0 $0x108  }
0x21: {  	s3 =	sadd.s32 s3, s9;
	s6 =	sadd.s32 @!p0 $0x88, s6;
	s7 =	simm.s32 @p2 $0x1082  }
0x22: {  	[simem:s7], [sflag:s8] =	dma.local @!p0 [hbm:s6], $0xF7A  }
0x23: {  	s9 =	sor.u32 $0xD0000000, s2;
	s6 =	simm.s32 $0x108;
	_ =	swait.ge @!p0 [sflag:s8], $0x0  }
0x24: {  	s3 =	sadd.s32 $0x88, s3;
	s6 =	simm.s32 @!p1 $0x1082;
	[sflag:s4] =	ssyncset.s32 $0xFFFFF086  }
0x25: {  	[simem:s6], [sflag:s4] =	dma.local [hbm:s3], $0xF7A  }
0x26: {  	[smem:$0x3F9D] =	sst s1;
	(tag) =	ssettag s2;
	_ =	strace s9  }
0x27: {  	s1 =	sld [smem:$0x3FAD]  }
0x28: {  	s2 =	sld [smem:$0x3FAE]  }
0x29: {  	s4 =	sld [smem:$0x3FB0]  }
0x2a: {  	p0 =	seq.s32 s5, $0x0;
	s5 =	sld [smem:$0x3FB1]  }
0x2b: {  	s6 =	sld [smem:$0x3FB2]  }
0x2c: {  	s7 =	sld [smem:$0x3FB3]  }
0x2d: {  	s3 =	simm.s32 $0x108;
	s8 =	sld [smem:$0x3FB4]  }
0x2e: {  	s3 =	simm.s32 @!p0 $0x1082;
	s9 =	sld [smem:$0x3FB5]  }
0x2f: {  	lr =	sadd.s32 s0, s3;
	s0 =	sld [smem:$0x3FAC]  }
0x30: {  	s3 =	sld [smem:$0x3FAF]  }
0x31: {  	[smem:$0x3FB8] =	sst s10  }
0x32: {  	s10 =	sld [smem:$0x3FB6];
	_ =	sdelay $0x3  }
0x33: {  	p0 =	seq.s32 s10, $0x1;
	s10 =	sld [smem:$0x3FB8];
	_ =	sdelay $0x3  }
0x34: {  	[smem:$0x3FB8] =	sst s10  }
0x35: {  	s10 =	sld [smem:$0x3FB7];
	_ =	sdelay $0x3  }
0x36: {  	p1 =	seq.s32 s10, $0x1;
	s10 =	sld [smem:$0x3FB8];
	_ =	sdelay $0x3  }
0x37: {  	[smem:$0x3FB8] =	sst s10  }
0x38: {  	s10 =	sld [smem:$0x3FB9]  }
0x39: {  	_ = 	snop;
	(pc) =	sbr.ind lr, $3  }
0x3a: {  	_ = 	snop  }
0x3b: {  	_ = 	snop  }
0x3c: {  	p2 =	seq.s32 s10, $0x1;
	s10 =	sld [smem:$0x3FB8]  }
0x3d: {  	_ =	shalt  }
0x3e: {  	_ =	shalt  }
0x3f: {  	_ =	shalt  }
0x40: {  	_ =	shalt  }
0x41: {  	_ =	shalt  }
0x42: {  	_ =	shalt  }
0x43: {  	_ =	shalt  }
0x44: {  	_ =	shalt  }
0x45: {  	_ =	shalt  }
0x46: {  	_ =	shalt  }
0x47: {  	_ =	shalt  }
0x48: {  	_ =	shalt  }
0x49: {  	_ =	shalt  }
0x4a: {  	_ =	shalt  }
0x4b: {  	_ =	shalt  }
0x4c: {  	_ =	shalt  }
0x4d: {  	_ =	shalt  }
0x4e: {  	_ =	shalt  }
0x4f: {  	_ =	shalt  }
0x50: {  	_ =	shalt  }
0x51: {  	_ =	shalt  }
0x52: {  	_ =	shalt  }
0x53: {  	_ =	shalt  }
0x54: {  	_ =	shalt  }
0x55: {  	_ =	shalt  }
0x56: {  	_ =	shalt  }
0x57: {  	_ =	shalt  }
0x58: {  	_ =	shalt  }
0x59: {  	_ =	shalt  }
0x5a: {  	_ =	shalt  }
0x5b: {  	_ =	shalt  }
0x5c: {  	_ =	shalt  }
0x5d: {  	_ =	shalt  }
0x5e: {  	_ =	shalt  }
0x5f: {  	_ =	shalt  }
0x60: {  	_ =	shalt  }
0x61: {  	_ =	shalt  }
0x62: {  	_ =	shalt  }
0x63: {  	_ =	shalt  }
0x64: {  	_ =	shalt  }
0x65: {  	_ =	shalt  }
0x66: {  	_ =	shalt  }
0x67: {  	_ =	shalt  }
0x68: {  	_ =	shalt  }
0x69: {  	_ =	shalt  }
0x6a: {  	_ =	shalt  }
0x6b: {  	_ =	shalt  }
0x6c: {  	_ =	shalt  }
0x6d: {  	_ =	shalt  }
0x6e: {  	_ =	shalt  }
0x6f: {  	_ =	shalt  }
0x70: {  	_ =	shalt  }
0x71: {  	_ =	shalt  }
0x72: {  	_ =	shalt  }
0x73: {  	_ =	shalt  }
0x74: {  	_ =	shalt  }
0x75: {  	_ =	shalt  }
0x76: {  	_ =	shalt  }
0x77: {  	_ =	shalt  }
0x78: {  	_ =	shalt  }
0x79: {  	_ =	shalt  }
0x7a: {  	_ =	shalt  }
0x7b: {  	_ =	shalt  }
0x7c: {  	_ =	shalt  }
0x7d: {  	_ =	shalt  }
0x7e: {  	_ =	shalt  }
0x7f: {  	_ =	shalt  }
0x80: {  	_ =	shalt  }
0x81: {  	_ =	shalt  }
0x82: {  	_ =	shalt  }
0x83: {  	_ =	shalt  }
0x84: {  	_ =	shalt  }
0x85: {  	_ =	shalt  }
0x86: {  	_ =	shalt  }
0x87: {  	_ =	shalt  }
.Lfunc_end0:
.L_simem_size_0:
called_computation_lowered:
.L_overlay_start_0:
0x88: {  	s2 =	sld [smem:$0x3FD9]  }
0x89: {  	s3 =	sld [smem:$0x3FFE];
	_ =	sdelay $0x1  }
0x8a: {  	s1 =	srdreg.scid  }
0x8b: {  	s0 =	sand.u32 $0x1, s1  }
0x8c: {  	s17 =	sshll.u32 s0, $0xA;
	s2 =	sadd.s32 s3, s2  }
0x8d: {  	s2 =	sadd.s32 s2, s17  }
0x8e: {  	[smem:$0x3FC4] =	sst s2  }
0x8f: {  	_ = 	snop  }
0x90: {  	s2 =	sld [smem:$0x3FC6];
	(tm) =	ssettm $0x1  }
0x91: {  	s18 =	sld [smem:$0x3FFB];
	_ =	sdelay $0x3  }
0x92: {  	_ =	strace s18  }
0x93: {  	s3 =	sld [smem:$0x3FFC];
	_ =	sdelay $0x3  }
0x94: {  	_ =	strace s3  }
0x95: {  	s3 =	sld [smem:$0x3FFD];
	_ =	sdelay $0x3  }
0x96: {  	_ =	strace s3  }
0x97: {  	_ =	strace $0x8FFFFFFF  }
0x98: {  	s19 =	sld [smem:$0x3FDB];
	_ =	sdelay $0x1  }
0x99: {  	s4 =	simm.s32 $_scs_section_size  }
0x9a: {  	s5 =	simm.s32 $_size__tile_overlayer_lowered;
	s6 =	simm.s32 $_tile_overlayer_lowered  }
0x9b: {  	s22 =	simm.s32 $0x1BFF;
	s21 =	sshll.u32 s6, $0x1;
	s3 =	sadd.s32 s4, s19  }
0x9c: {  	s7 =	simm.s32 $0x0;
	s20 =	sshll.u32 s5, $0x1;
	s5 =	sadd.s32 s21, s3  }
0x9d: {  	[timem:s7], [sflag:s22] =	dma.local [hbm:s5], s20  }
0x9e: {  	_ =	swait.ge [sflag:s22], s20  }
0x9f: {  	s4 =	ssub.s32 $0x0, s20;
	[sflag:s22] =	ssyncset.done $0x0  }
0xa0: {  	[sflag:s22] =	ssyncadd.s32 s4;
	_ =	sdelay $0x1  }
0xa1: {  	s23 =	simm.s32 $0x1B8B  }
0xa2: {  	_ =	swait.ge [sflag:s23], $0x1  }
0xa3: {  	[sflag:s23] =	ssyncset.done $0x0  }
0xa4: {  	s25 =	simm.s32 $0x1B8E;
	s24 =	sld [smem:$0x3FFE];
	[sflag:s23] =	ssyncadd.s32 $0xFFFFFFFF  }
0xa5: {  	s26 =	simm.s32 $execute0_lowered;
	[smem:$0x3FD2] =	sst s25  }
0xa6: {  	s5 =	sshll.u32 s26, $0x1;
	_ =	strace $0x80000046;
	[dreg:$0x1] =	wrdreg $0xFFFFFFFF  }
0xa7: {  	s28 =	simm.s32 $_size_execute0_lowered;
	s3 =	sadd.s32 s3, s5;
	[dreg:$0x0] =	wrdreg $0x0  }
0xa8: {  	s5 =	sshll.u32 s28, $0x1;
	[dreg:$0x2] =	wrdreg s3  }
0xa9: {  	[dreg:$0x3] =	wrdreg s5  }
0xaa: {  	[dreg:$0x4] =	wrdreg $0xC0  }
0xab: {  	_ =	task [dreg:s7], $0x5FFFF  }
0xac: {  	[dreg:$0x1] =	wrdreg $0xFFFFFFFF  }
0xad: {  	[dreg:$0x0] =	wrdreg $0x60  }
0xae: {  	[dreg:$0x2] =	wrdreg s2  }
0xaf: {  	[dreg:$0x3] =	wrdreg s24  }
0xb0: {  	[dreg:$0x4] =	wrdreg $0x9  }
0xb1: {  	_ =	task.clear_ibuf [dreg:s7], $0x5FFFF;
	_ =	strace $0x90000046  }
0xb2: {  	s29 =	simm.s32 $0x9;
	_ =	strace $0x80000048  }
0xb3: {  	_ =	swait.ge [sflag:s29], $0x1  }
0xb4: {  	[sflag:s29] =	ssyncadd.s32 $0xFFFFFFFF  }
0xb5: {  	_ =	strace $0x90000048  }
0xb6: {  	_ =	sfence  }
0xb7: {  	s30 =	sld [smem:$0x0];
	_ =	sdelay $0x2  }
0xb8: {  	s31 =	sshll.u32 s1, $0xD;
	s1 =	sshrl.u32 s1, $0x2  }
0xb9: {  	s3 =	sand.u32 $0x4000, s31;
	s1 =	sadd.s32 s1, s30  }
0xba: {  	s0 =	sor.u32 s3, s0;
	s1 =	sshll.u32 s1, $0x11  }
0xbb: {  	s0 =	sor.u32 s1, s0  }
0xbc: {  	s0 =	sadd.s32 $0x8F2B, s0  }
0xbd: {  	[sflag:s0] =	ssyncadd.remote.s32 $0x1  }
0xbe: {  	_ =	sfence.sel $0xFFFF  }
0xbf: {  	[dreg:$0x0] =	wrdreg $0xFFFFFFFF;
	(pc) =	sbr.abs _section_cstart, $3  }
0xc0: {  	[dreg:$0x1] =	wrdreg $0xFFFFFFFF  }
0xc1: {  	_ =	task.clear_ibuf [dreg:s7], $0x2FFFF;
	_ =	strace $0x9FFFFFFF  }
0xc2: {  	(tm) =	ssettm $0x7FFFFFFF  }
0xc3: {  	_ =	shalt  }
tec
execute0_lowered:
.L_overlay_start_1:
0x0: {  	(tag) =	ssettag $0x1  }
0x1: {  	s1 =	rddreg [dreg:$0x0]  }
0x2: {  	s4 =	rddreg [dreg:$0x1];
	s2 =	simm.s32 $0x0  }
0x3: {  	[smem:$0x7FF] =	sst s2  }
0x4: {  	s0 =	rddreg [dreg:$0x2];
	v0 =	vimm.s32 $0x0;
	_ =	strace $0x80000047  }
0x5: {  	(xrf1) =	vunique.msk.u32 $0xffff, v0;
	_ =	sdelay $0xd  }
0x6: {  	_, v0, _ =	vpop (xrf1)  }
0x7: {  	v0 =	vxor.u32 $0x80000000, v0  }
0x8: {  	(xrf0) =	vmin.scan.msk.u32 $0xffff, v0;
	_ =	sdelay $0x5  }
0x9: {  	v0, _, _ =	vpop (xrf0)  }
0xa: {  	(v2sf) =	vpush v0, $0xF;
	_ =	sdelay $0xc  }
0xb: {  	s5 =	srdreg.scid;
	s3 =	stileid.u32  }
0xc: {  	s9 =	simm.s32 $0x80;
	s5 =	sand.u32 $0x1, s5;
	s6 =	sshll.u32 s3, $0x1  }
.Ltmp0:
0xd: {  	s6 =	sor.u32 s5, s6;
	s7 =	spop (v2sf);
	(pc) =	sbr.rel .LBB2_1-.Ltmp0, $4  }
0xe: {  	s5 =	ssub.s32 $0x2, s5;
	s6 =	smul.u32 $0xC35, s6;
	s7 =	sxor.u32 $0x80000000, s7  }
0xf: {  	s10 =	simm.s32 $0x1AC80;
	s4 =	sadd.s32 $0x800, s4;
	s8 =	sshrl.u32 s5, $0x1;
	v0 =	vmov s7  }
0x10: {  	v4 =	vlaneseq.u32;
	s5 =	ssub.s32 s5, s8;
	s8 =	simm.s32 $0x1C80;
	s31 =	sadd.s32 $0xC35, s6;
	v3 =	vsub.s32 $0x1, v0  }
0x11: {  	v1 =	vmov s6;
	s5 =	smax.u32 s5, $0x1;
	s6 =	simm.s32 $0x1;
	v2 =	vmov s31;
	s7 =	simm.s32 $0x1000;
	v3 =	vbroadcast v3, $0x0  }
.LBB2_16:
0x12: {  	[hbm4b:s4+s9] =	stream.indirect.scatter [tilespmem:s10], [sflag:$0x1], $0x1, s13, s9, $0xb8;
	[tilespmem:$0x1AD00] =	vst v63  }
0x13: {  	_ =	swait.ge [sflag:s6], $0x80  }
0x14: {  	[sflag:s6] =	ssyncset.done $0x0  }
0x15: {  	[sflag:s6] =	ssyncadd.s32 $0xFFFFFF80  }
.LBB2_17:
0x16: {  	s2 =	sadd.s32 $0x1, s2  }
0x17: {  	p0 =	sne.s32 s2, s5  }
.Ltmp1:
0x18: {  	_ = 	snop;
	(pc) =	sbr.rel @!p0 .LBB2_18-.Ltmp1, $1  }
0x19: {  	_ =	sdelay $0x3  }
.LBB2_1:
0x1a: {  	s11 =	simm.s32 $0x40;
	s12 =	simm.s32 $0x0;
	v5 =	vimm.s32 $0x0  }
.LBB2_2:
0x1b: {  	p0 =	sne.s32 s11, $0x30C0;
	[tilespmem:s12+$0x1000] =	vst v5;
	s12 =	smov.u32 s11;
	s11 =	sadd.s32 $0x40, s11  }
.Ltmp2:
0x1c: {  	(pc) =	sbr.rel @p0 .LBB2_2-.Ltmp2, $2  }
0x1d: {  	_ =	sdelay $0x2  }
0x1e: {  	v5 =	vimm.s32 $0x0;
	s12 =	sshra.s32 s12, $0x2  }
0x1f: {  	[tilespmem:s12+$0x1000] =	vst v5;
	s11 =	simm.s32 $0x0;
	s12 =	simm.s32 $0x0  }
.LBB2_4:
0x20: {  	s13 =	smul.u32 $0x1F4, s12;
	_ =	sdelay $0x1  }
0x21: {  	s13 =	sadd.s32 s1, s13  }
0x22: {  	[tilespmem:s11], [sflag:$0x1] =	stream.linear.gather [hbm4b:s13+s11], $0xFA0, $0x38;
	[tilespmem:$0x1AD00] =	vst v63  }
0x23: {  	_ =	swait.ge [sflag:s6], $0xFA0  }
0x24: {  	[sflag:s6] =	ssyncset.done $0x0  }
0x25: {  	s14 =	simm.s32 $0x0;
	s13 =	simm.s32 $0x40;
	[sflag:s6] =	ssyncadd.s32 $0xFFFFF060  }
.LBB2_5:
0x26: {  	p0 =	sne.s32 s13, $0x3E40;
	v6 =	vld [tilespmem:s14+$0x0];
	_ =	sdelay $0x4  }
0x27: {  	vm0 =	vge.s32 v6, v1;
	vm1 =	vlt.s32 v6, v2;
	vm2 =	vlt.s32 v6, v1  }
0x28: {  	vm0 =	vmand vm0, vm1;
	v7 =	vmpcnt.ones.xlane vm2  }
0x29: {  	(xrf1) =	vunique.msk.u32 vm0, v6  }
0x2a: {  	v5 =	vadd.s32 v5, v7;
	_ =	sdelay $0xc  }
0x2b: {  	_, v7, vm0 =	vpop (xrf1)  }
0x2c: {  	v6 =	vsub.s32 v6, v1  }
.Ltmp3:
0x2d: {  	(pc) =	sbr.rel @p0 .LBB2_5-.Ltmp3, $3  }
0x2e: {  	_ =	sdelay $0x1  }
0x2f: {  	v7 =	vadd.s32 v7, v3  }
0x30: {  	s14 =	sshra.s32 s13, $0x2;
	s13 =	sadd.s32 $0x40, s13;
	[tilespmem:v6+s7+$0x0] =	vst.idx.add.s32.msk vm0, v7  }
0x31: {  	v6 =	vld [tilespmem:s14+$0x0];
	_ =	sdelay $0x4  }
0x32: {  	vm0 =	vge.s32 v6, v1;
	vm1 =	vlt.s32 v6, v2  }
0x33: {  	vm0 =	vmand vm0, vm1  }
0x34: {  	(xrf1) =	vunique.msk.u32 vm0, v6;
	_ =	sdelay $0xd  }
0x35: {  	s12 =	sadd.s32 $0x1, s12;
	_, v7, vm0 =	vpop (xrf1)  }
0x36: {  	p0 =	sne.s32 s12, $0x19;
	v8 =	vsub.s32 v6, v1  }
.Ltmp4:
0x37: {  	_ = 	snop;
	(pc) =	sbr.rel @p0 .LBB2_4-.Ltmp4, $4  }
0x38: {  	vm15 =	vlt.s32 v6, v1  }
0x39: {  	v6 =	vmpcnt.ones.xlane vm15  }
0x3a: {  	v7 =	vadd.s32 v7, v3  }
0x3b: {  	v5 =	vadd.s32 v5, v6;
	[tilespmem:v8+s7+$0x0] =	vst.idx.add.s32.msk vm0, v7  }
0x3c: {  	v5 =	vxor.u32 $0x80000000, v5  }
0x3d: {  	(xrf0) =	vmax.scan.msk.u32 $0xffff, v5;
	_ =	sdelay $0x5  }
0x3e: {  	v5, _, _ =	vpop (xrf0)  }
0x3f: {  	s12 =	simm.s32 $0x0;
	(v2sf) =	vpush v5, $0xF  }
0x40: {  	v6 =	vld [tilespmem:s12+$0x1000];
	_ =	sdelay $0x4  }
0x41: {  	(xrf0) =	vadd.scan.msk.s32 $0xffff, v6;
	_ =	sdelay $0x5  }
0x42: {  	v5, _, _ =	vpop (xrf0)  }
0x43: {  	v7 =	vxor.u32 $0x80000000, v5  }
0x44: {  	(xrf0) =	vmax.scan.msk.u32 $0xffff, v7  }
0x45: {  	s11 =	spop (v2sf)  }
0x46: {  	s11 =	sxor.u32 $0x80000000, s11  }
0x47: {  	v6 =	vsub.s32 s11, v6;
	_ =	sdelay $0x2  }
0x48: {  	v5 =	vadd.s32 v5, v6;
	v6, _, _ =	vpop (xrf0)  }
0x49: {  	s13 =	simm.s32 $0x10;
	s14 =	simm.s32 $0x80;
	[tilespmem:s12+$0x1000] =	vst v5;
	s12 =	smov.u32 s11;
	(v2sf) =	vpush v6, $0xF  }
.LBB2_8:
0x4a: {  	p0 =	sne.s32 s14, $0x30C0;
	v5 =	vld [tilespmem:s13+$0x1000];
	_ =	sdelay $0x4  }
0x4b: {  	(xrf0) =	vadd.scan.msk.s32 $0xffff, v5;
	_ =	sdelay $0x5  }
0x4c: {  	v6, _, _ =	vpop (xrf0)  }
0x4d: {  	v7 =	vxor.u32 $0x80000000, v6  }
0x4e: {  	(xrf0) =	vmax.scan.msk.u32 $0xffff, v7  }
0x4f: {  	s15 =	spop (v2sf)  }
0x50: {  	s12 =	sadd.s32 s15, s12  }
.Ltmp5:
0x51: {  	s12 =	sadd.s32 $0x80000000, s12;
	(pc) =	sbr.rel @p0 .LBB2_8-.Ltmp5, $4  }
0x52: {  	v7 =	vsub.s32 s12, v5  }
0x53: {  	v6 =	vadd.s32 v6, v7  }
0x54: {  	[tilespmem:s13+$0x1000] =	vst v6;
	v5, _, _ =	vpop (xrf0)  }
0x55: {  	s13 =	sshra.s32 s14, $0x2;
	s14 =	sadd.s32 $0x40, s14;
	(v2sf) =	vpush v5, $0xF  }
0x56: {  	v5 =	vld [tilespmem:s13+$0x1000];
	_ =	sdelay $0x4  }
0x57: {  	(xrf0) =	vadd.scan.msk.s32 $0xffff, v5;
	_ =	sdelay $0x5  }
0x58: {  	v6, _, _ =	vpop (xrf0)  }
0x59: {  	v7 =	vxor.u32 $0x80000000, v6  }
0x5a: {  	(xrf0) =	vmax.scan.msk.u32 $0xffff, v7;
	_ =	sdelay $0x5  }
0x5b: {  	v7, _, _ =	vpop (xrf0)  }
0x5c: {  	(v2sf) =	vpush v7, $0xF;
	_ =	sdelay $0xb  }
0x5d: {  	s14 =	spop (v2sf)  }
0x5e: {  	s12 =	sadd.s32 s14, s12  }
0x5f: {  	s12 =	sadd.s32 $0x80000000, s12  }
0x60: {  	v5 =	vsub.s32 s12, v5;
	v7 =	vmov s11;
	s31 =	spop (v2sf)  }
0x61: {  	s15 =	simm.s32 $0x0;
	v5 =	vadd.s32 v6, v5;
	v6 =	vsub.s32 $0x0, v7;
	s12 =	sadd.s32 s31, s12  }
0x62: {  	s14 =	simm.s32 $0x0;
	[tilespmem:s13+$0x1000] =	vst v5;
	s13 =	simm.s32 $0x0;
	v5 =	vbroadcast v6, $0x0;
	s12 =	sadd.s32 $0x80000000, s12  }
.LBB2_10:
0x63: {  	s16 =	smul.u32 $0xFA0, s15;
	_ =	sdelay $0x1  }
0x64: {  	s16 =	sshrl.u32 s16, $0x3  }
0x65: {  	s16 =	sadd.s32 s1, s16  }
0x66: {  	[tilespmem:s13], [sflag:$0x1] =	stream.linear.gather [hbm4b:s16+s13], $0xFA0, $0x38;
	[tilespmem:$0x1AD00] =	vst v63  }
0x67: {  	_ =	swait.ge [sflag:s6], $0xFA0  }
0x68: {  	[sflag:s6] =	ssyncset.done $0x0  }
0x69: {  	s30 =	simm.s32 $0x0;
	[sflag:s6] =	ssyncadd.s32 $0xFFFFF060  }
0x6a: {  	v6 =	vld [tilespmem:s30+$0x0];
	_ =	sdelay $0x4  }
0x6b: {  	vm0 =	vge.s32 v6, v1;
	vm1 =	vlt.s32 v6, v2  }
0x6c: {  	vm0 =	vmand vm0, vm1  }
0x6d: {  	(xrf1) =	vunique.msk.u32 vm0, v6;
	_ =	sdelay $0x4  }
0x6e: {  	v6 =	vsub.s32 v6, v1;
	_ =	sdelay $0x4  }
0x6f: {  	v7 =	vld.idx.msk [tilespmem:v6+s7+$0x0], vm0;
	_ =	sdelay $0x3  }
0x70: {  	_, v8, vm15 =	vpop (xrf1)  }
0x71: {  	v7 =	vadd.s32 v5, v7;
	v8 =	vsub.s32 v8, v0  }
0x72: {  	v7 =	vadd.s32 v8, v7;
	_ =	sdelay $0x3  }
0x73: {  	v9 =	vor.u32 s14, v4  }
0x74: {  	v8 =	vadd.s32 $0x1, v8;
	[tilespmem:v7+s8+$0x0] =	vst.idx.msk vm0, v9  }
0x75: {  	s31 =	simm.s32 $0x10;
	[tilespmem:v6+s7+$0x0] =	vst.idx.add.s32.msk vm15, v8  }
0x76: {  	s17 =	simm.s32 $0x80;
	s16 =	smov.u32 s14;
	v6 =	vld [tilespmem:s31+$0x0]  }
.LBB2_11:
0x77: {  	p0 =	sne.s32 s17, $0x3E40;
	_ =	sdelay $0x3  }
0x78: {  	vm0 =	vge.s32 v6, v1;
	vm1 =	vlt.s32 v6, v2  }
0x79: {  	vm0 =	vmand vm0, vm1  }
0x7a: {  	(xrf1) =	vunique.msk.u32 vm0, v6;
	_ =	sdelay $0x3  }
0x7b: {  	v6 =	vsub.s32 v6, v1;
	_ =	sdelay $0x4  }
0x7c: {  	v7 =	vld.idx.msk [tilespmem:v6+s7+$0x0], vm0;
	_ =	sdelay $0x4  }
0x7d: {  	_, v8, vm1 =	vpop (xrf1)  }
0x7e: {  	v7 =	vadd.s32 v5, v7;
	v8 =	vsub.s32 v8, v0  }
0x7f: {  	v7 =	vadd.s32 v8, v7;
	v8 =	vadd.s32 $0x1, v8;
	_ =	sdelay $0x2  }
.Ltmp6:
0x80: {  	s16 =	sadd.s32 $0x10, s16;
	(pc) =	sbr.rel @p0 .LBB2_11-.Ltmp6, $4  }
0x81: {  	v9 =	vor.u32 s16, v4  }
0x82: {  	[tilespmem:v7+s8+$0x0] =	vst.idx.msk vm0, v9  }
0x83: {  	s18 =	sshra.s32 s17, $0x2;
	[tilespmem:v6+s7+$0x0] =	vst.idx.add.s32.msk vm1, v8  }
0x84: {  	s17 =	sadd.s32 $0x40, s17;
	v6 =	vld [tilespmem:s18+$0x0]  }
0x85: {  	_ =	sdelay $0x3  }
0x86: {  	vm0 =	vge.s32 v6, v1;
	vm1 =	vlt.s32 v6, v2  }
0x87: {  	vm0 =	vmand vm0, vm1  }
0x88: {  	(xrf1) =	vunique.msk.u32 vm0, v6;
	_ =	sdelay $0x4  }
0x89: {  	v6 =	vsub.s32 v6, v1;
	_ =	sdelay $0x4  }
0x8a: {  	v7 =	vld.idx.msk [tilespmem:v6+s7+$0x0], vm0;
	_ =	sdelay $0x3  }
0x8b: {  	_, v8, vm15 =	vpop (xrf1)  }
0x8c: {  	v7 =	vadd.s32 v5, v7;
	v8 =	vsub.s32 v8, v0  }
0x8d: {  	s15 =	sadd.s32 $0x1, s15;
	v7 =	vadd.s32 v8, v7  }
0x8e: {  	p0 =	sne.s32 s15, $0x19  }
.Ltmp7:
0x8f: {  	_ = 	snop;
	(pc) =	sbr.rel @p0 .LBB2_10-.Ltmp7, $4  }
0x90: {  	s16 =	sadd.s32 $0x10, s16  }
0x91: {  	v9 =	vor.u32 s16, v4  }
0x92: {  	v8 =	vadd.s32 $0x1, v8;
	[tilespmem:v7+s8+$0x0] =	vst.idx.msk vm0, v9  }
0x93: {  	s14 =	sadd.s32 $0xFA0, s14;
	[tilespmem:v6+s7+$0x0] =	vst.idx.add.s32.msk vm15, v8  }
0x94: {  	s13 =	ssub.s32 s12, s11  }
0x95: {  	s12 =	sadd.s32 $0x7F, s13  }
0x96: {  	s14 =	sand.u32 $0x7F, s12  }
0x97: {  	s15 =	sshra.s32 s12, $0x1F;
	p0 =	slt.s32 s12, $0x1;
	p1 =	sne.s32 s14, $0x0  }
0x98: {  	s31 =	sshrl.u32 s15, $0x19;
	p0 =	por !p0, !p1  }
0x99: {  	s14 =	simm.s32 $0x1;
	s12 =	sadd.s32 s31, s12;
	p0 =	por !p0, !p0  }
0x9a: {  	s12 =	sshra.s32 s12, $0x7;
	s14 =	simm.s32 @!p0 $0x0  }
0x9b: {  	p0 =	slt.s32 s13, $0x1;
	s12 =	ssub.s32 s12, s14  }
0x9c: {  	s14 =	sshll.u32 @!p0 s12, $0x7  }
0x9d: {  	v5 =	vld @!p0 [tilespmem:s14+$0x1C00]  }
0x9e: {  	v6 =	vld @!p0 [tilespmem:s14+$0x1C10]  }
0x9f: {  	v7 =	vlaneseq.u32 @!p0;
	s15 =	sadd.s32 @!p0 $0xFFFFFF80, s14;
	v8 =	vld @!p0 [tilespmem:s14+$0x1C20]  }
0xa0: {  	v10 =	vld @!p0 [tilespmem:s14+$0x1C30];
	v9 =	vor.u32 @!p0 s15, v7;
	s15 =	sadd.s32 @!p0 $0xFFFFFF90, s14  }
0xa1: {  	v12 =	vld @!p0 [tilespmem:s14+$0x1C40];
	vm0 =	vlt.s32 @!p0 v9, s13;
	v9 =	vor.u32 @!p0 $0x186A0, v7;
	v11 =	vor.u32 @!p0 s15, v7;
	s15 =	sadd.s32 @!p0 $0xFFFFFFA0, s14  }
0xa2: {  	v13 =	vld @!p0 [tilespmem:s14+$0x1C50];
	v5 =	vsel @!p0 vm0, v5, v9;
	vm0 =	vlt.s32 @!p0 v11, s13;
	v11 =	vor.u32 @!p0 s15, v7;
	s15 =	sadd.s32 @!p0 $0xFFFFFFB0, s14  }
0xa3: {  	[tilespmem:s14+$0x1C00] =	vst @!p0 v5;
	v5 =	vsel @!p0 vm0, v6, v9;
	vm0 =	vlt.s32 @!p0 v11, s13;
	v6 =	vor.u32 @!p0 s15, v7;
	s15 =	sadd.s32 @!p0 $0xFFFFFFC0, s14;
	v11 =	vld @!p0 [tilespmem:s14+$0x1C60]  }
0xa4: {  	[tilespmem:s14+$0x1C10] =	vst @!p0 v5;
	v5 =	vsel @!p0 vm0, v8, v9;
	vm0 =	vlt.s32 @!p0 v6, s13;
	v6 =	vor.u32 @!p0 s15, v7;
	s15 =	sadd.s32 @!p0 $0xFFFFFFD0, s14;
	v8 =	vld @!p0 [tilespmem:s14+$0x1C70]  }
0xa5: {  	p1 =	slt.s32 s12, $0x1;
	[tilespmem:s14+$0x1C20] =	vst @!p0 v5;
	v5 =	vsel @!p0 vm0, v10, v9;
	vm0 =	vlt.s32 @!p0 v6, s13;
	v6 =	vor.u32 @!p0 s15, v7;
	s15 =	sadd.s32 @!p0 $0xFFFFFFE0, s14  }
.Ltmp8:
0xa6: {  	[tilespmem:s14+$0x1C30] =	vst @!p0 v5;
	v5 =	vsel @!p0 vm0, v12, v9;
	vm0 =	vlt.s32 @!p0 v6, s13;
	v6 =	vor.u32 @!p0 s15, v7;
	s15 =	sadd.s32 @!p0 $0xFFFFFFF0, s14;
	(pc) =	sbr.rel @p1 .LBB2_17-.Ltmp8, $4  }
0xa7: {  	[tilespmem:s14+$0x1C40] =	vst @!p0 v5;
	v5 =	vsel @!p0 vm0, v13, v9;
	vm0 =	vlt.s32 @!p0 v6, s13;
	v6 =	vor.u32 @!p0 s15, v7  }
0xa8: {  	[tilespmem:s14+$0x1C50] =	vst @!p0 v5;
	v5 =	vsel @!p0 vm0, v11, v9;
	vm0 =	vlt.s32 @!p0 v6, s13  }
0xa9: {  	[tilespmem:s14+$0x1C60] =	vst @!p0 v5;
	v5 =	vsel @!p0 vm0, v8, v9  }
0xaa: {  	s13 =	simm.s32 $0x1C80;
	[tilespmem:s14+$0x1C70] =	vst @!p0 v5  }
0xab: {  	s14 =	sadd.s32 $0x70, s11  }
0xac: {  	s15 =	sadd.s32 $0x60, s11;
	v5 =	vadd.s32 s14, v4  }
0xad: {  	v6 =	vadd.s32 s15, v4;
	[tilespmem:$0x1ACF0] =	vst v5  }
0xae: {  	s28 =	sadd.s32 $0x50, s11;
	v5 =	vadd.s32 s11, v4;
	[tilespmem:$0x1ACE0] =	vst v6  }
0xaf: {  	s26 =	sadd.s32 $0x40, s11;
	p0 =	sne.s32 s12, $0x1;
	v6 =	vadd.s32 s28, v4;
	[tilespmem:$0x1AC80] =	vst v5  }
.Ltmp9:
0xb0: {  	s30 =	sadd.s32 $0x30, s11;
	v5 =	vadd.s32 s26, v4;
	[tilespmem:$0x1ACD0] =	vst v6;
	(pc) =	sbr.rel @!p0 .LBB2_16-.Ltmp9, $4  }
0xb1: {  	s29 =	sadd.s32 $0x20, s11;
	v6 =	vadd.s32 s30, v4;
	[tilespmem:$0x1ACC0] =	vst v5  }
0xb2: {  	s31 =	sadd.s32 $0x10, s11;
	v5 =	vadd.s32 s29, v4;
	[tilespmem:$0x1ACB0] =	vst v6  }
0xb3: {  	[tilespmem:$0x1ACA0] =	vst v5;
	v5 =	vadd.s32 s31, v4  }
0xb4: {  	s12 =	sadd.s32 $0xFFFFFFFF, s12;
	s14 =	simm.s32 $0x1D00;
	s11 =	sadd.s32 $0x80, s11;
	[tilespmem:$0x1AC90] =	vst v5  }
.LBB2_15:
0xb5: {  	[hbm4b:s4+s9] =	stream.indirect.scatter [tilespmem:s10], [sflag:$0x1], $0x1, s13, s9, $0xb8;
	[tilespmem:$0x1AD00] =	vst v63  }
0xb6: {  	p0 =	sne.s32 s12, $0x1;
	s12 =	sadd.s32 $0xFFFFFFFF, s12;
	_ =	swait.ge [sflag:s6], $0x80  }
0xb7: {  	s15 =	sadd.s32 $0x70, s11;
	s13 =	smov.u32 s14;
	[sflag:s6] =	ssyncset.done $0x0  }
0xb8: {  	s16 =	sadd.s32 $0x60, s11;
	v5 =	vadd.s32 s15, v4;
	[sflag:s6] =	ssyncadd.s32 $0xFFFFFF80  }
0xb9: {  	v6 =	vadd.s32 s16, v4;
	[tilespmem:$0x1ACF0] =	vst v5  }
0xba: {  	s15 =	sadd.s32 $0x40, s11;
	s16 =	sadd.s32 $0x50, s11;
	v5 =	vadd.s32 s11, v4;
	[tilespmem:$0x1ACE0] =	vst v6  }
0xbb: {  	s17 =	sadd.s32 $0x10, s11;
	s18 =	sadd.s32 $0x20, s11;
	s19 =	sadd.s32 $0x30, s11;
	v6 =	vadd.s32 s16, v4;
	[tilespmem:$0x1AC80] =	vst v5;
	v5 =	vadd.s32 s15, v4  }
.Ltmp10:
0xbc: {  	v7 =	vadd.s32 s17, v4;
	v8 =	vadd.s32 s18, v4;
	v9 =	vadd.s32 s19, v4;
	[tilespmem:$0x1ACC0] =	vst v5;
	(pc) =	sbr.rel @p0 .LBB2_15-.Ltmp10, $4  }
0xbd: {  	[tilespmem:$0x1ACD0] =	vst v6  }
0xbe: {  	[tilespmem:$0x1ACA0] =	vst v8  }
0xbf: {  	[tilespmem:$0x1ACB0] =	vst v9  }
0xc0: {  	s14 =	sadd.s32 $0x80, s14;
	s11 =	sadd.s32 $0x80, s11;
	[tilespmem:$0x1AC90] =	vst v7  }
.Ltmp11:
0xc1: {  	_ = 	snop;
	(pc) =	sbr.rel .LBB2_16-.Ltmp11, $1  }
0xc2: {  	_ =	sdelay $0x3  }
.LBB2_18:
0xc3: {  	_ =	sfence.sel $0x180000  }
0xc4: {  	[bflag:$0x0] =	sbarrier.arrive $0xFFFF  }
0xc5: {  	p0 =	sne.s32 s3, $0x0;
	_ =	strace $0x90000047  }
0xc6: {  	s0 =	sadd.s32 @!p0 $0x100000, s0;
	[bflag:$0x2] =	sbarrier.arrive $0xFFFF  }
0xc7: {  	[sflag:s0] =	ssyncadd.tile.s32 @!p0 $0x1;
	_ =	shalt  }
.Lfunc_end2:
_tile_overlayer_lowered:
.L_overlay_start_2:
0xc8: {  	(tag) =	ssettag $0x2  }
0xc9: {  	s0 =	rddreg [dreg:$0x0];
	s2 =	stileid.u32  }
0xca: {  	s1 =	rddreg [dreg:$0x1];
	p0 =	sne.s32 s2, $0x0  }
0xcb: {  	s3 =	rddreg [dreg:$0x2];
	[bflag:$0x3] =	sbarrier.arrive $0xFFFF;
	s2 =	simm.s32 @!p0 $0x1C01  }
0xcc: {  	[timem:s3], [sflag:s2] =	dma.local @!p0 [hbm:s0], s1  }
0xcd: {  	s0 =	simm.s32 @!p0 $0x1  }
0xce: {  	_ =	swait.ge @!p0 [sflag:s0], s1  }
0xcf: {  	s1 =	ssub.s32 @!p0 $0x0, s1;
	[sflag:s0] =	ssyncset.done @!p0 $0x0  }
0xd0: {  	[sflag:s0] =	ssyncadd.s32 @!p0 s1  }
0xd1: {  	[bflag:$0x3] =	sbarrier.arrive $0xFFFF  }
0xd2: {  	_ =	shalt  }

// kernel: kernel.7.cloned.1.call-start
scs
__scs_entry_jumppad:
0x0: {  	(pc) =	sbr.rel $0x88, $3  }
0x1: {  	(tag) =	ssettag $0x0;
	lr =	simm.s32 $0x1  }
0x2: {  	[smem:$0x3F9D] =	sst lr;
	_ =	strace $0xD0000000  }
0x3: {  	_ = 	snop  }
0x4: {  	_ = 	snop  }
0x5: {  	_ = 	snop  }
0x6: {  	_ = 	snop  }
0x7: {  	_ = 	snop  }
__scs_overlays_trampoline_lowered:
0x8: {  	[smem:$0x3FAC] =	sst s0  }
0x9: {  	[smem:$0x3FAD] =	sst s1  }
0xa: {  	[smem:$0x3FAE] =	sst s2  }
0xb: {  	[smem:$0x3FAF] =	sst s3  }
0xc: {  	[smem:$0x3FB0] =	sst s4  }
0xd: {  	[smem:$0x3FB1] =	sst s5  }
0xe: {  	[smem:$0x3FB2] =	sst s6  }
0xf: {  	[smem:$0x3FB3] =	sst s7  }
0x10: {  	[smem:$0x3FB4] =	sst s8  }
0x11: {  	[smem:$0x3FB5] =	sst s9;
	s0 =	simm.s32 @!p0 $0x0  }
0x12: {  	s1 =	sld [smem:$0x3F9B];
	s0 =	simm.s32 @p0 $0x1  }
0x13: {  	[smem:$0x3FB6] =	sst s0;
	s0 =	simm.s32 @!p1 $0x0  }
0x14: {  	s2 =	sld [smem:$0x3F9A];
	s0 =	simm.s32 @p1 $0x1  }
0x15: {  	[smem:$0x3FB7] =	sst s0;
	s0 =	simm.s32 @!p2 $0x0  }
0x16: {  	s3 =	sld [smem:$0x3FDB];
	s0 =	simm.s32 @p2 $0x1  }
0x17: {  	s4 =	simm.s32 $0x1BF5;
	[smem:$0x3FB9] =	sst s0  }
0x18: {  	s0 =	sld [smem:$0x3F9C];
	_ =	swait.ge [sflag:s4], $0x0  }
0x19: {  	s7 =	sld [smem:$0x3F9D]  }
0x1a: {  	s8 =	sadd.s32 $0xFFFFE003, lr  }
0x1b: {  	s9 =	sadd.s32 $0xFFFFFEF7, lr;
	s5 =	simm.s32 $0xFFFFFFFF;
	p2 =	slt.u32 s8, $0xFFFFF086  }
0x1c: {  	p1 =	slt.u32 s9, $0xF7A;
	s5 =	simm.s32 @!p2 $0x0  }
0x1d: {  	s5 =	simm.s32 @p1 $0x1;
	p0 =	seq.s32 s7, s2  }
0x1e: {  	s7 =	smul.u32 @!p0 $0xF7A, s2;
	p2 =	seq.s32 @!p0 s5, $0x0  }
0x1f: {  	s9 =	smul.u32 $0xF7A, s1;
	s8 =	simm.s32 @!p0 $0x1BF5;
	p2 =	por !p2, p0  }
0x20: {  	[sflag:s8] =	ssyncset.s32 @!p0 $0xFFFFF086;
	s6 =	sadd.s32 @!p0 s3, s7;
	s7 =	simm.s32 @!p0 $0x108  }
0x21: {  	s3 =	sadd.s32 s3, s9;
	s6 =	sadd.s32 @!p0 $0x88, s6;
	s7 =	simm.s32 @p2 $0x1082  }
0x22: {  	[simem:s7], [sflag:s8] =	dma.local @!p0 [hbm:s6], $0xF7A  }
0x23: {  	s9 =	sor.u32 $0xD0000000, s2;
	s6 =	simm.s32 $0x108;
	_ =	swait.ge @!p0 [sflag:s8], $0x0  }
0x24: {  	s3 =	sadd.s32 $0x88, s3;
	s6 =	simm.s32 @!p1 $0x1082;
	[sflag:s4] =	ssyncset.s32 $0xFFFFF086  }
0x25: {  	[simem:s6], [sflag:s4] =	dma.local [hbm:s3], $0xF7A  }
0x26: {  	[smem:$0x3F9D] =	sst s1;
	(tag) =	ssettag s2;
	_ =	strace s9  }
0x27: {  	s1 =	sld [smem:$0x3FAD]  }
0x28: {  	s2 =	sld [smem:$0x3FAE]  }
0x29: {  	s4 =	sld [smem:$0x3FB0]  }
0x2a: {  	p0 =	seq.s32 s5, $0x0;
	s5 =	sld [smem:$0x3FB1]  }
0x2b: {  	s6 =	sld [smem:$0x3FB2]  }
0x2c: {  	s7 =	sld [smem:$0x3FB3]  }
0x2d: {  	s3 =	simm.s32 $0x108;
	s8 =	sld [smem:$0x3FB4]  }
0x2e: {  	s3 =	simm.s32 @!p0 $0x1082;
	s9 =	sld [smem:$0x3FB5]  }
0x2f: {  	lr =	sadd.s32 s0, s3;
	s0 =	sld [smem:$0x3FAC]  }
0x30: {  	s3 =	sld [smem:$0x3FAF]  }
0x31: {  	[smem:$0x3FB8] =	sst s10  }
0x32: {  	s10 =	sld [smem:$0x3FB6];
	_ =	sdelay $0x3  }
0x33: {  	p0 =	seq.s32 s10, $0x1;
	s10 =	sld [smem:$0x3FB8];
	_ =	sdelay $0x3  }
0x34: {  	[smem:$0x3FB8] =	sst s10  }
0x35: {  	s10 =	sld [smem:$0x3FB7];
	_ =	sdelay $0x3  }
0x36: {  	p1 =	seq.s32 s10, $0x1;
	s10 =	sld [smem:$0x3FB8];
	_ =	sdelay $0x3  }
0x37: {  	[smem:$0x3FB8] =	sst s10  }
0x38: {  	s10 =	sld [smem:$0x3FB9]  }
0x39: {  	_ = 	snop;
	(pc) =	sbr.ind lr, $3  }
0x3a: {  	_ = 	snop  }
0x3b: {  	_ = 	snop  }
0x3c: {  	p2 =	seq.s32 s10, $0x1;
	s10 =	sld [smem:$0x3FB8]  }
0x3d: {  	_ =	shalt  }
0x3e: {  	_ =	shalt  }
0x3f: {  	_ =	shalt  }
0x40: {  	_ =	shalt  }
0x41: {  	_ =	shalt  }
0x42: {  	_ =	shalt  }
0x43: {  	_ =	shalt  }
0x44: {  	_ =	shalt  }
0x45: {  	_ =	shalt  }
0x46: {  	_ =	shalt  }
0x47: {  	_ =	shalt  }
0x48: {  	_ =	shalt  }
0x49: {  	_ =	shalt  }
0x4a: {  	_ =	shalt  }
0x4b: {  	_ =	shalt  }
0x4c: {  	_ =	shalt  }
0x4d: {  	_ =	shalt  }
0x4e: {  	_ =	shalt  }
0x4f: {  	_ =	shalt  }
0x50: {  	_ =	shalt  }
0x51: {  	_ =	shalt  }
0x52: {  	_ =	shalt  }
0x53: {  	_ =	shalt  }
0x54: {  	_ =	shalt  }
0x55: {  	_ =	shalt  }
0x56: {  	_ =	shalt  }
0x57: {  	_ =	shalt  }
0x58: {  	_ =	shalt  }
0x59: {  	_ =	shalt  }
0x5a: {  	_ =	shalt  }
0x5b: {  	_ =	shalt  }
0x5c: {  	_ =	shalt  }
0x5d: {  	_ =	shalt  }
0x5e: {  	_ =	shalt  }
0x5f: {  	_ =	shalt  }
0x60: {  	_ =	shalt  }
0x61: {  	_ =	shalt  }
0x62: {  	_ =	shalt  }
0x63: {  	_ =	shalt  }
0x64: {  	_ =	shalt  }
0x65: {  	_ =	shalt  }
0x66: {  	_ =	shalt  }
0x67: {  	_ =	shalt  }
0x68: {  	_ =	shalt  }
0x69: {  	_ =	shalt  }
0x6a: {  	_ =	shalt  }
0x6b: {  	_ =	shalt  }
0x6c: {  	_ =	shalt  }
0x6d: {  	_ =	shalt  }
0x6e: {  	_ =	shalt  }
0x6f: {  	_ =	shalt  }
0x70: {  	_ =	shalt  }
0x71: {  	_ =	shalt  }
0x72: {  	_ =	shalt  }
0x73: {  	_ =	shalt  }
0x74: {  	_ =	shalt  }
0x75: {  	_ =	shalt  }
0x76: {  	_ =	shalt  }
0x77: {  	_ =	shalt  }
0x78: {  	_ =	shalt  }
0x79: {  	_ =	shalt  }
0x7a: {  	_ =	shalt  }
0x7b: {  	_ =	shalt  }
0x7c: {  	_ =	shalt  }
0x7d: {  	_ =	shalt  }
0x7e: {  	_ =	shalt  }
0x7f: {  	_ =	shalt  }
0x80: {  	_ =	shalt  }
0x81: {  	_ =	shalt  }
0x82: {  	_ =	shalt  }
0x83: {  	_ =	shalt  }
0x84: {  	_ =	shalt  }
0x85: {  	_ =	shalt  }
0x86: {  	_ =	shalt  }
0x87: {  	_ =	shalt  }
.Lfunc_end0:
.L_simem_size_0:
called_computation.1_lowered:
.L_overlay_start_0:
0x88: {  	s2 =	sld [smem:$0x3FD9]  }
0x89: {  	s3 =	sld [smem:$0x3FFE];
	_ =	sdelay $0x1  }
0x8a: {  	s1 =	srdreg.scid  }
0x8b: {  	s0 =	sand.u32 $0x1, s1  }
0x8c: {  	s17 =	sshll.u32 s0, $0xA;
	s2 =	sadd.s32 s3, s2  }
0x8d: {  	s2 =	sadd.s32 s2, s17  }
0x8e: {  	[smem:$0x3FC4] =	sst s2  }
0x8f: {  	_ = 	snop  }
0x90: {  	s2 =	sld [smem:$0x3FC9]  }
0x91: {  	s18 =	sld [smem:$0x3FC8]  }
0x92: {  	s4 =	sld [smem:$0x3FC7]  }
0x93: {  	s5 =	sld [smem:$0x3FD0];
	(tm) =	ssettm $0x1  }
0x94: {  	s6 =	sld [smem:$0x3FFB];
	_ =	sdelay $0x3  }
0x95: {  	_ =	strace s6  }
0x96: {  	s6 =	sld [smem:$0x3FFC];
	_ =	sdelay $0x3  }
0x97: {  	_ =	strace s6  }
0x98: {  	s6 =	sld [smem:$0x3FFD];
	_ =	sdelay $0x3  }
0x99: {  	_ =	strace s6  }
0x9a: {  	_ =	strace $0x8FFFFFFF  }
0x9b: {  	s19 =	sld [smem:$0x3FDB];
	_ =	sdelay $0x1  }
0x9c: {  	s7 =	simm.s32 $_scs_section_size  }
0x9d: {  	s8 =	simm.s32 $_size__tile_overlayer_lowered;
	s9 =	simm.s32 $_tile_overlayer_lowered  }
0x9e: {  	s22 =	simm.s32 $0x1BFF;
	s21 =	sshll.u32 s9, $0x1;
	s6 =	sadd.s32 s7, s19  }
0x9f: {  	s10 =	simm.s32 $0x0;
	s20 =	sshll.u32 s8, $0x1;
	s8 =	sadd.s32 s21, s6  }
0xa0: {  	[timem:s10], [sflag:s22] =	dma.local [hbm:s8], s20  }
0xa1: {  	_ =	swait.ge [sflag:s22], s20  }
0xa2: {  	s7 =	ssub.s32 $0x0, s20;
	[sflag:s22] =	ssyncset.done $0x0  }
0xa3: {  	[sflag:s22] =	ssyncadd.s32 s7;
	_ =	sdelay $0x1  }
0xa4: {  	s23 =	simm.s32 $0x1B8B  }
0xa5: {  	_ =	swait.ge [sflag:s23], $0x1  }
0xa6: {  	[sflag:s23] =	ssyncset.done $0x0  }
0xa7: {  	s25 =	simm.s32 $0x1B8E;
	s24 =	sld [smem:$0x3FFE];
	[sflag:s23] =	ssyncadd.s32 $0xFFFFFFFF  }
0xa8: {  	s26 =	simm.s32 $execute0_lowered;
	[smem:$0x3FD2] =	sst s25  }
0xa9: {  	s8 =	sshll.u32 s26, $0x1;
	_ =	strace $0x80000049;
	[dreg:$0x1] =	wrdreg $0xFFFFFFFF  }
0xaa: {  	s28 =	simm.s32 $_size_execute0_lowered;
	s6 =	sadd.s32 s6, s8;
	[dreg:$0x0] =	wrdreg $0x0  }
0xab: {  	s8 =	sshll.u32 s28, $0x1;
	[dreg:$0x2] =	wrdreg s6  }
0xac: {  	[dreg:$0x3] =	wrdreg s8  }
0xad: {  	[dreg:$0x4] =	wrdreg $0xC0  }
0xae: {  	_ =	task [dreg:s10], $0x5FFFF  }
0xaf: {  	[dreg:$0x1] =	wrdreg $0xFFFFFFFF  }
0xb0: {  	[dreg:$0x0] =	wrdreg $0x60  }
0xb1: {  	[dreg:$0x2] =	wrdreg s2  }
0xb2: {  	[dreg:$0x3] =	wrdreg s18  }
0xb3: {  	[dreg:$0x4] =	wrdreg s4  }
0xb4: {  	[dreg:$0x5] =	wrdreg s24  }
0xb5: {  	[dreg:$0x6] =	wrdreg s5  }
0xb6: {  	[dreg:$0x7] =	wrdreg $0x9  }
0xb7: {  	_ =	task.clear_ibuf [dreg:s10], $0x8FFFF;
	_ =	strace $0x90000049  }
0xb8: {  	s29 =	simm.s32 $0x9;
	_ =	strace $0x8000004B  }
0xb9: {  	_ =	swait.ge [sflag:s29], $0x1  }
0xba: {  	[sflag:s29] =	ssyncadd.s32 $0xFFFFFFFF  }
0xbb: {  	_ =	strace $0x9000004B  }
0xbc: {  	_ =	sfence  }
0xbd: {  	s30 =	sld [smem:$0x0];
	_ =	sdelay $0x2  }
0xbe: {  	s31 =	sshll.u32 s1, $0xD;
	s1 =	sshrl.u32 s1, $0x2  }
0xbf: {  	s3 =	sand.u32 $0x4000, s31;
	s1 =	sadd.s32 s1, s30  }
0xc0: {  	s0 =	sor.u32 s3, s0;
	s1 =	sshll.u32 s1, $0x11  }
0xc1: {  	s0 =	sor.u32 s1, s0  }
0xc2: {  	s0 =	sadd.s32 $0x8F2B, s0  }
0xc3: {  	[sflag:s0] =	ssyncadd.remote.s32 $0x1  }
0xc4: {  	_ =	sfence.sel $0xFFFF  }
0xc5: {  	[dreg:$0x0] =	wrdreg $0xFFFFFFFF;
	(pc) =	sbr.abs _section_cstart, $3  }
0xc6: {  	[dreg:$0x1] =	wrdreg $0xFFFFFFFF  }
0xc7: {  	_ =	task.clear_ibuf [dreg:s10], $0x2FFFF;
	_ =	strace $0x9FFFFFFF  }
0xc8: {  	(tm) =	ssettm $0x7FFFFFFF  }
0xc9: {  	_ =	shalt  }
tec
execute0_lowered:
.L_overlay_start_1:
0x0: {  	(tag) =	ssettag $0x1  }
0x1: {  	s6 =	rddreg [dreg:$0x0]  }
0x2: {  	s9 =	rddreg [dreg:$0x1]  }
0x3: {  	s10 =	rddreg [dreg:$0x2]  }
0x4: {  	s4 =	rddreg [dreg:$0x3]  }
0x5: {  	s2 =	rddreg [dreg:$0x4]  }
0x6: {  	s0 =	rddreg [dreg:$0x5]  }
0x7: {  	s5 =	srdreg.scid;
	s1 =	stileid.u32;
	s3 =	simm.s32 $0x0  }
0x8: {  	s17 =	simm.s32 $0x2080;
	s18 =	simm.s32 $0x2880;
	s19 =	simm.s32 $0x3080  }
0x9: {  	s20 =	simm.s32 $0x3880;
	s21 =	simm.s32 $0x4080;
	s25 =	smul.u32 $0x14, s1  }
0xa: {  	s22 =	simm.s32 $0x4880;
	s23 =	simm.s32 $0x1;
	s13 =	smul.u32 $0xA0, s1  }
0xb: {  	s24 =	simm.s32 $0x0;
	s7 =	sand.u32 $0x1, s5;
	s15 =	smul.u32 $0x1400, s1  }
0xc: {  	[smem:$0x7FF] =	sst s3;
	s14 =	sadd.s32 $0x800, s4;
	s11 =	smul.u32 $0xA, s7  }
0xd: {  	s29 =	sshll.u32 s1, $0x1;
	s8 =	ssub.s32 $0x2, s7;
	s28 =	smul.u32 $0x50, s7  }
0xe: {  	_ =	strace $0x8000004A;
	s16 =	smul.u32 $0xA00, s7;
	s7 =	sor.u32 s7, s29  }
0xf: {  	s12 =	sshrl.u32 s8, $0x1;
	s5 =	sadd.s32 s25, s14;
	s6 =	sadd.s32 s15, s6  }
0x10: {  	s9 =	sadd.s32 s15, s9;
	s31 =	sadd.s32 s15, s10;
	s15 =	simm.s32 $0x1080  }
0x11: {  	s26 =	ssub.s32 s8, s12;
	s13 =	sadd.s32 s28, s13;
	s5 =	sadd.s32 s11, s5  }
.Ltmp0:
0x12: {  	s6 =	sadd.s32 s16, s6;
	s9 =	sadd.s32 s16, s9;
	(pc) =	sbr.rel .LBB2_1-.Ltmp0, $4  }
0x13: {  	s12 =	simm.s32 $0x2;
	s8 =	sadd.s32 $0x9C40, s13;
	s30 =	sadd.s32 $0x13880, s13  }
0x14: {  	v2 =	vlaneseq.u32;
	s4 =	smax.u32 s26, $0x1;
	s8 =	sshrl.u32 s8, $0x3;
	s11 =	sshrl.u32 s30, $0x3  }
0x15: {  	vm0 =	vmmov $0xffff;
	v1 =	vshrl.u32 v2, $0x3;
	s13 =	simm.s32 $0x80;
	s8 =	sadd.s32 s8, s14;
	s10 =	sadd.s32 s11, s14  }
0x16: {  	v0 =	vand.u32 $0x7, v2;
	v2 =	vor.u32 $0x8, v2;
	v1 =	vmul.u32 $0x8, v1;
	s11 =	sadd.s32 s16, s31;
	s14 =	simm.s32 $0x880;
	s16 =	simm.s32 $0x1880  }
.LBB2_13:
0x17: {  	s24 =	sadd.s32 $0x1, s24  }
0x18: {  	p0 =	sne.s32 s24, s4  }
.Ltmp1:
0x19: {  	_ = 	snop;
	(pc) =	sbr.rel @!p0 .LBB2_14-.Ltmp1, $1  }
0x1a: {  	_ =	sdelay $0x3  }
.LBB2_1:
.Ltmp2:
0x1b: {  	(pc) =	sbr.rel .LBB2_2-.Ltmp2, $2  }
0x1c: {  	_ =	sdelay $0x2  }
0x1d: {  	s25 =	smov.u32 s6;
	s26 =	smov.u32 s5;
	s28 =	simm.s32 $0x0  }
.LBB2_4:
0x1e: {  	s28 =	sadd.s32 $0x20, s28  }
0x1f: {  	p0 =	sne.s32 s28, $0x200  }
.Ltmp3:
0x20: {  	_ = 	snop;
	(pc) =	sbr.rel @!p0 .LBB2_5-.Ltmp3, $2  }
0x21: {  	_ =	sdelay $0x2  }
0x22: {  	s26 =	sadd.s32 $0x140, s26;
	s25 =	sadd.s32 $0x14000, s25  }
.LBB2_2:
0x23: {  	s29 =	sadd.s32 s28, s7  }
0x24: {  	p0 =	sgt.u32 s29, $0x1F3  }
.Ltmp4:
0x25: {  	_ = 	snop;
	(pc) =	sbr.rel @p0 .LBB2_4-.Ltmp4, $1  }
0x26: {  	_ =	sdelay $0x3  }
0x27: {  	[tilespmem:s3], [sflag:$0x2] =	stream.linear.gather [hbm4b:s26+s3], $0x50, $0x38;
	[tilespmem:$0x5080] =	vst v63  }
0x28: {  	_ =	swait.ge [sflag:s12], $0x50  }
0x29: {  	[sflag:s12] =	ssyncset.done $0x0  }
0x2a: {  	[sflag:s12] =	ssyncadd.s32 $0xFFFFFFB0  }
0x2b: {  	[tilespmem:s13], [sflag:$0x2] =	stream.linear.gather [hbm4b:s25+s3], $0x5000, $0x38;
	[tilespmem:$0x5080] =	vst v63  }
0x2c: {  	_ =	swait.ge [sflag:s12], $0x5000  }
0x2d: {  	[sflag:s12] =	ssyncset.done $0x0  }
0x2e: {  	[sflag:s12] =	ssyncadd.s32 $0xFFFFB000  }
0x2f: {  	v3 =	vld [tilespmem:$0x0];
	_ =	sdelay $0x4  }
0x30: {  	v4 =	vshll.u32 v3, $0x1  }
0x31: {  	v3 =	vand.u32 $0x7, v3;
	v4 =	vand.u32 $0xFFFFFFF0, v4  }
0x32: {  	v3 =	vor.u32 v3, v4  }
0x33: {  	v4 =	vperm.xlane v3, v0;
	_ =	sdelay $0x1  }
0x34: {  	v3 =	vperm.xlane v3, v2;
	v4 =	vadd.s32 v1, v4;
	_ =	sdelay $0x1  }
0x35: {  	v3 =	vadd.s32 v1, v3;
	_ =	sdelay $0x2  }
0x36: {  	[hbm4b:s2+s3] =	stream.indirect_vreg.scatter [tilespmem:s13], [sflag:$0x1], $0x80, v4, vm0, $0xb8;
	[tilespmem:$0x5080] =	vst v63  }
0x37: {  	_ = 	snop  }
0x38: {  	[hbm4b:s2+s3] =	stream.indirect_vreg.scatter [tilespmem:s14], [sflag:$0x1], $0x80, v3, vm0, $0xb8;
	[tilespmem:$0x5080] =	vst v63  }
0x39: {  	v3 =	vld [tilespmem:$0x10];
	_ =	sdelay $0x4  }
0x3a: {  	v60 =	vshll.u32 v3, $0x1  }
0x3b: {  	v3 =	vand.u32 $0x7, v3;
	v4 =	vand.u32 $0xFFFFFFF0, v60  }
0x3c: {  	v3 =	vor.u32 v3, v4  }
0x3d: {  	v4 =	vperm.xlane v3, v0;
	_ =	sdelay $0x1  }
0x3e: {  	v3 =	vperm.xlane v3, v2;
	v4 =	vadd.s32 v1, v4;
	_ =	sdelay $0x1  }
0x3f: {  	v3 =	vadd.s32 v1, v3;
	_ =	sdelay $0x2  }
0x40: {  	[hbm4b:s2+s3] =	stream.indirect_vreg.scatter [tilespmem:s15], [sflag:$0x1], $0x80, v4, vm0, $0xb8;
	[tilespmem:$0x5080] =	vst v63  }
0x41: {  	_ = 	snop  }
0x42: {  	[hbm4b:s2+s3] =	stream.indirect_vreg.scatter [tilespmem:s16], [sflag:$0x1], $0x80, v3, vm0, $0xb8;
	[tilespmem:$0x5080] =	vst v63  }
0x43: {  	v3 =	vld [tilespmem:$0x20];
	_ =	sdelay $0x4  }
0x44: {  	v61 =	vshll.u32 v3, $0x1  }
0x45: {  	v3 =	vand.u32 $0x7, v3;
	v4 =	vand.u32 $0xFFFFFFF0, v61  }
0x46: {  	v3 =	vor.u32 v3, v4  }
0x47: {  	v4 =	vperm.xlane v3, v0;
	_ =	sdelay $0x1  }
0x48: {  	v3 =	vperm.xlane v3, v2;
	v4 =	vadd.s32 v1, v4;
	_ =	sdelay $0x1  }
0x49: {  	v3 =	vadd.s32 v1, v3;
	_ =	sdelay $0x2  }
0x4a: {  	[hbm4b:s2+s3] =	stream.indirect_vreg.scatter [tilespmem:s17], [sflag:$0x1], $0x80, v4, vm0, $0xb8;
	[tilespmem:$0x5080] =	vst v63  }
0x4b: {  	_ = 	snop  }
0x4c: {  	[hbm4b:s2+s3] =	stream.indirect_vreg.scatter [tilespmem:s18], [sflag:$0x1], $0x80, v3, vm0, $0xb8;
	[tilespmem:$0x5080] =	vst v63  }
0x4d: {  	v3 =	vld [tilespmem:$0x30];
	_ =	sdelay $0x4  }
0x4e: {  	v62 =	vshll.u32 v3, $0x1  }
0x4f: {  	v3 =	vand.u32 $0x7, v3;
	v4 =	vand.u32 $0xFFFFFFF0, v62  }
0x50: {  	v3 =	vor.u32 v3, v4  }
0x51: {  	v4 =	vperm.xlane v3, v0;
	_ =	sdelay $0x1  }
0x52: {  	v3 =	vperm.xlane v3, v2;
	v4 =	vadd.s32 v1, v4;
	_ =	sdelay $0x1  }
0x53: {  	v3 =	vadd.s32 v1, v3;
	_ =	sdelay $0x2  }
0x54: {  	[hbm4b:s2+s3] =	stream.indirect_vreg.scatter [tilespmem:s19], [sflag:$0x1], $0x80, v4, vm0, $0xb8;
	[tilespmem:$0x5080] =	vst v63  }
0x55: {  	_ = 	snop  }
0x56: {  	[hbm4b:s2+s3] =	stream.indirect_vreg.scatter [tilespmem:s20], [sflag:$0x1], $0x80, v3, vm0, $0xb8;
	[tilespmem:$0x5080] =	vst v63  }
0x57: {  	v3 =	vld [tilespmem:$0x40];
	_ =	sdelay $0x4  }
0x58: {  	v63 =	vshll.u32 v3, $0x1  }
0x59: {  	v3 =	vand.u32 $0x7, v3;
	v4 =	vand.u32 $0xFFFFFFF0, v63  }
0x5a: {  	v3 =	vor.u32 v3, v4  }
0x5b: {  	v4 =	vperm.xlane v3, v0;
	_ =	sdelay $0x1  }
0x5c: {  	v3 =	vperm.xlane v3, v2;
	v4 =	vadd.s32 v1, v4;
	_ =	sdelay $0x1  }
0x5d: {  	v3 =	vadd.s32 v1, v3;
	_ =	sdelay $0x2  }
0x5e: {  	[hbm4b:s2+s3] =	stream.indirect_vreg.scatter [tilespmem:s21], [sflag:$0x1], $0x80, v4, vm0, $0xb8;
	[tilespmem:$0x5080] =	vst v63  }
.Ltmp5:
0x5f: {  	_ = 	snop;
	(pc) =	sbr.rel .LBB2_4-.Ltmp5, $4  }
0x60: {  	[hbm4b:s2+s3] =	stream.indirect_vreg.scatter [tilespmem:s22], [sflag:$0x1], $0x80, v3, vm0, $0xb8;
	[tilespmem:$0x5080] =	vst v63  }
0x61: {  	_ =	swait.ge [sflag:s23], $0x5000  }
0x62: {  	[sflag:s23] =	ssyncset.done $0x0  }
0x63: {  	[sflag:s23] =	ssyncadd.s32 $0xFFFFB000  }
.LBB2_5:
.Ltmp6:
0x64: {  	(pc) =	sbr.rel .LBB2_6-.Ltmp6, $2  }
0x65: {  	_ =	sdelay $0x2  }
0x66: {  	s25 =	simm.s32 $0x0;
	s26 =	smov.u32 s9;
	s28 =	smov.u32 s8  }
.LBB2_8:
0x67: {  	s25 =	sadd.s32 $0x20, s25  }
0x68: {  	p0 =	sne.s32 s25, $0x200  }
.Ltmp7:
0x69: {  	_ = 	snop;
	(pc) =	sbr.rel @!p0 .LBB2_9-.Ltmp7, $2  }
0x6a: {  	_ =	sdelay $0x2  }
0x6b: {  	s28 =	sadd.s32 $0x140, s28;
	s26 =	sadd.s32 $0x14000, s26  }
.LBB2_6:
0x6c: {  	s29 =	sadd.s32 s25, s7  }
0x6d: {  	p0 =	sgt.u32 s29, $0x1F3  }
.Ltmp8:
0x6e: {  	_ = 	snop;
	(pc) =	sbr.rel @p0 .LBB2_8-.Ltmp8, $1  }
0x6f: {  	_ =	sdelay $0x3  }
0x70: {  	[tilespmem:s3], [sflag:$0x2] =	stream.linear.gather [hbm4b:s28+s3], $0x50, $0x38;
	[tilespmem:$0x5080] =	vst v63  }
0x71: {  	_ =	swait.ge [sflag:s12], $0x50  }
0x72: {  	[sflag:s12] =	ssyncset.done $0x0  }
0x73: {  	[sflag:s12] =	ssyncadd.s32 $0xFFFFFFB0  }
0x74: {  	[tilespmem:s13], [sflag:$0x2] =	stream.linear.gather [hbm4b:s26+s3], $0x5000, $0x38;
	[tilespmem:$0x5080] =	vst v63  }
0x75: {  	_ =	swait.ge [sflag:s12], $0x5000  }
0x76: {  	[sflag:s12] =	ssyncset.done $0x0  }
0x77: {  	[sflag:s12] =	ssyncadd.s32 $0xFFFFB000  }
0x78: {  	v3 =	vld [tilespmem:$0x0];
	_ =	sdelay $0x4  }
0x79: {  	v4 =	vshll.u32 v3, $0x1  }
0x7a: {  	v3 =	vand.u32 $0x7, v3;
	v4 =	vand.u32 $0xFFFFFFF0, v4  }
0x7b: {  	v3 =	vor.u32 v3, v4  }
0x7c: {  	v4 =	vperm.xlane v3, v0;
	_ =	sdelay $0x1  }
0x7d: {  	v3 =	vperm.xlane v3, v2;
	v4 =	vadd.s32 v1, v4;
	_ =	sdelay $0x1  }
0x7e: {  	v3 =	vadd.s32 v1, v3;
	_ =	sdelay $0x2  }
0x7f: {  	[hbm4b:s2+s3] =	stream.indirect_vreg.scatter [tilespmem:s13], [sflag:$0x1], $0x80, v4, vm0, $0xb8;
	[tilespmem:$0x5080] =	vst v63  }
0x80: {  	_ = 	snop  }
0x81: {  	[hbm4b:s2+s3] =	stream.indirect_vreg.scatter [tilespmem:s14], [sflag:$0x1], $0x80, v3, vm0, $0xb8;
	[tilespmem:$0x5080] =	vst v63  }
0x82: {  	v3 =	vld [tilespmem:$0x10];
	_ =	sdelay $0x4  }
0x83: {  	v60 =	vshll.u32 v3, $0x1  }
0x84: {  	v3 =	vand.u32 $0x7, v3;
	v4 =	vand.u32 $0xFFFFFFF0, v60  }
0x85: {  	v3 =	vor.u32 v3, v4  }
0x86: {  	v4 =	vperm.xlane v3, v0;
	_ =	sdelay $0x1  }
0x87: {  	v3 =	vperm.xlane v3, v2;
	v4 =	vadd.s32 v1, v4;
	_ =	sdelay $0x1  }
0x88: {  	v3 =	vadd.s32 v1, v3;
	_ =	sdelay $0x2  }
0x89: {  	[hbm4b:s2+s3] =	stream.indirect_vreg.scatter [tilespmem:s15], [sflag:$0x1], $0x80, v4, vm0, $0xb8;
	[tilespmem:$0x5080] =	vst v63  }
0x8a: {  	_ = 	snop  }
0x8b: {  	[hbm4b:s2+s3] =	stream.indirect_vreg.scatter [tilespmem:s16], [sflag:$0x1], $0x80, v3, vm0, $0xb8;
	[tilespmem:$0x5080] =	vst v63  }
0x8c: {  	v3 =	vld [tilespmem:$0x20];
	_ =	sdelay $0x4  }
0x8d: {  	v61 =	vshll.u32 v3, $0x1  }
0x8e: {  	v3 =	vand.u32 $0x7, v3;
	v4 =	vand.u32 $0xFFFFFFF0, v61  }
0x8f: {  	v3 =	vor.u32 v3, v4  }
0x90: {  	v4 =	vperm.xlane v3, v0;
	_ =	sdelay $0x1  }
0x91: {  	v3 =	vperm.xlane v3, v2;
	v4 =	vadd.s32 v1, v4;
	_ =	sdelay $0x1  }
0x92: {  	v3 =	vadd.s32 v1, v3;
	_ =	sdelay $0x2  }
0x93: {  	[hbm4b:s2+s3] =	stream.indirect_vreg.scatter [tilespmem:s17], [sflag:$0x1], $0x80, v4, vm0, $0xb8;
	[tilespmem:$0x5080] =	vst v63  }
0x94: {  	_ = 	snop  }
0x95: {  	[hbm4b:s2+s3] =	stream.indirect_vreg.scatter [tilespmem:s18], [sflag:$0x1], $0x80, v3, vm0, $0xb8;
	[tilespmem:$0x5080] =	vst v63  }
0x96: {  	v3 =	vld [tilespmem:$0x30];
	_ =	sdelay $0x4  }
0x97: {  	v62 =	vshll.u32 v3, $0x1  }
0x98: {  	v3 =	vand.u32 $0x7, v3;
	v4 =	vand.u32 $0xFFFFFFF0, v62  }
0x99: {  	v3 =	vor.u32 v3, v4  }
0x9a: {  	v4 =	vperm.xlane v3, v0;
	_ =	sdelay $0x1  }
0x9b: {  	v3 =	vperm.xlane v3, v2;
	v4 =	vadd.s32 v1, v4;
	_ =	sdelay $0x1  }
0x9c: {  	v3 =	vadd.s32 v1, v3;
	_ =	sdelay $0x2  }
0x9d: {  	[hbm4b:s2+s3] =	stream.indirect_vreg.scatter [tilespmem:s19], [sflag:$0x1], $0x80, v4, vm0, $0xb8;
	[tilespmem:$0x5080] =	vst v63  }
0x9e: {  	_ = 	snop  }
0x9f: {  	[hbm4b:s2+s3] =	stream.indirect_vreg.scatter [tilespmem:s20], [sflag:$0x1], $0x80, v3, vm0, $0xb8;
	[tilespmem:$0x5080] =	vst v63  }
0xa0: {  	v3 =	vld [tilespmem:$0x40];
	_ =	sdelay $0x4  }
0xa1: {  	v63 =	vshll.u32 v3, $0x1  }
0xa2: {  	v3 =	vand.u32 $0x7, v3;
	v4 =	vand.u32 $0xFFFFFFF0, v63  }
0xa3: {  	v3 =	vor.u32 v3, v4  }
0xa4: {  	v4 =	vperm.xlane v3, v0;
	_ =	sdelay $0x1  }
0xa5: {  	v3 =	vperm.xlane v3, v2;
	v4 =	vadd.s32 v1, v4;
	_ =	sdelay $0x1  }
0xa6: {  	v3 =	vadd.s32 v1, v3;
	_ =	sdelay $0x2  }
0xa7: {  	[hbm4b:s2+s3] =	stream.indirect_vreg.scatter [tilespmem:s21], [sflag:$0x1], $0x80, v4, vm0, $0xb8;
	[tilespmem:$0x5080] =	vst v63  }
.Ltmp9:
0xa8: {  	_ = 	snop;
	(pc) =	sbr.rel .LBB2_8-.Ltmp9, $4  }
0xa9: {  	[hbm4b:s2+s3] =	stream.indirect_vreg.scatter [tilespmem:s22], [sflag:$0x1], $0x80, v3, vm0, $0xb8;
	[tilespmem:$0x5080] =	vst v63  }
0xaa: {  	_ =	swait.ge [sflag:s23], $0x5000  }
0xab: {  	[sflag:s23] =	ssyncset.done $0x0  }
0xac: {  	[sflag:s23] =	ssyncadd.s32 $0xFFFFB000  }
.LBB2_9:
.Ltmp10:
0xad: {  	(pc) =	sbr.rel .LBB2_10-.Ltmp10, $2  }
0xae: {  	_ =	sdelay $0x2  }
0xaf: {  	s25 =	simm.s32 $0x0;
	s26 =	smov.u32 s11;
	s28 =	smov.u32 s10  }
.LBB2_12:
0xb0: {  	s25 =	sadd.s32 $0x20, s25  }
0xb1: {  	p0 =	sne.s32 s25, $0x100  }
.Ltmp11:
0xb2: {  	_ = 	snop;
	(pc) =	sbr.rel @!p0 .LBB2_13-.Ltmp11, $2  }
0xb3: {  	_ =	sdelay $0x2  }
0xb4: {  	s28 =	sadd.s32 $0x140, s28;
	s26 =	sadd.s32 $0x14000, s26  }
.LBB2_10:
0xb5: {  	s29 =	sadd.s32 s25, s7  }
0xb6: {  	p0 =	sgt.u32 s29, $0xF9  }
.Ltmp12:
0xb7: {  	_ = 	snop;
	(pc) =	sbr.rel @p0 .LBB2_12-.Ltmp12, $1  }
0xb8: {  	_ =	sdelay $0x3  }
0xb9: {  	[tilespmem:s3], [sflag:$0x2] =	stream.linear.gather [hbm4b:s28+s3], $0x50, $0x38;
	[tilespmem:$0x5080] =	vst v63  }
0xba: {  	_ =	swait.ge [sflag:s12], $0x50  }
0xbb: {  	[sflag:s12] =	ssyncset.done $0x0  }
0xbc: {  	[sflag:s12] =	ssyncadd.s32 $0xFFFFFFB0  }
0xbd: {  	[tilespmem:s13], [sflag:$0x2] =	stream.linear.gather [hbm4b:s26+s3], $0x5000, $0x38;
	[tilespmem:$0x5080] =	vst v63  }
0xbe: {  	_ =	swait.ge [sflag:s12], $0x5000  }
0xbf: {  	[sflag:s12] =	ssyncset.done $0x0  }
0xc0: {  	[sflag:s12] =	ssyncadd.s32 $0xFFFFB000  }
0xc1: {  	v3 =	vld [tilespmem:$0x0];
	_ =	sdelay $0x4  }
0xc2: {  	v4 =	vshll.u32 v3, $0x1  }
0xc3: {  	v3 =	vand.u32 $0x7, v3;
	v4 =	vand.u32 $0xFFFFFFF0, v4  }
0xc4: {  	v3 =	vor.u32 v3, v4  }
0xc5: {  	v4 =	vperm.xlane v3, v0;
	_ =	sdelay $0x1  }
0xc6: {  	v3 =	vperm.xlane v3, v2;
	v4 =	vadd.s32 v1, v4;
	_ =	sdelay $0x1  }
0xc7: {  	v3 =	vadd.s32 v1, v3;
	_ =	sdelay $0x2  }
0xc8: {  	[hbm4b:s2+s3] =	stream.indirect_vreg.scatter [tilespmem:s13], [sflag:$0x1], $0x80, v4, vm0, $0xb8;
	[tilespmem:$0x5080] =	vst v63  }
0xc9: {  	_ = 	snop  }
0xca: {  	[hbm4b:s2+s3] =	stream.indirect_vreg.scatter [tilespmem:s14], [sflag:$0x1], $0x80, v3, vm0, $0xb8;
	[tilespmem:$0x5080] =	vst v63  }
0xcb: {  	v3 =	vld [tilespmem:$0x10];
	_ =	sdelay $0x4  }
0xcc: {  	v60 =	vshll.u32 v3, $0x1  }
0xcd: {  	v3 =	vand.u32 $0x7, v3;
	v4 =	vand.u32 $0xFFFFFFF0, v60  }
0xce: {  	v3 =	vor.u32 v3, v4  }
0xcf: {  	v4 =	vperm.xlane v3, v0;
	_ =	sdelay $0x1  }
0xd0: {  	v3 =	vperm.xlane v3, v2;
	v4 =	vadd.s32 v1, v4;
	_ =	sdelay $0x1  }
0xd1: {  	v3 =	vadd.s32 v1, v3;
	_ =	sdelay $0x2  }
0xd2: {  	[hbm4b:s2+s3] =	stream.indirect_vreg.scatter [tilespmem:s15], [sflag:$0x1], $0x80, v4, vm0, $0xb8;
	[tilespmem:$0x5080] =	vst v63  }
0xd3: {  	_ = 	snop  }
0xd4: {  	[hbm4b:s2+s3] =	stream.indirect_vreg.scatter [tilespmem:s16], [sflag:$0x1], $0x80, v3, vm0, $0xb8;
	[tilespmem:$0x5080] =	vst v63  }
0xd5: {  	v3 =	vld [tilespmem:$0x20];
	_ =	sdelay $0x4  }
0xd6: {  	v61 =	vshll.u32 v3, $0x1  }
0xd7: {  	v3 =	vand.u32 $0x7, v3;
	v4 =	vand.u32 $0xFFFFFFF0, v61  }
0xd8: {  	v3 =	vor.u32 v3, v4  }
0xd9: {  	v4 =	vperm.xlane v3, v0;
	_ =	sdelay $0x1  }
0xda: {  	v3 =	vperm.xlane v3, v2;
	v4 =	vadd.s32 v1, v4;
	_ =	sdelay $0x1  }
0xdb: {  	v3 =	vadd.s32 v1, v3;
	_ =	sdelay $0x2  }
0xdc: {  	[hbm4b:s2+s3] =	stream.indirect_vreg.scatter [tilespmem:s17], [sflag:$0x1], $0x80, v4, vm0, $0xb8;
	[tilespmem:$0x5080] =	vst v63  }
0xdd: {  	_ = 	snop  }
0xde: {  	[hbm4b:s2+s3] =	stream.indirect_vreg.scatter [tilespmem:s18], [sflag:$0x1], $0x80, v3, vm0, $0xb8;
	[tilespmem:$0x5080] =	vst v63  }
0xdf: {  	v3 =	vld [tilespmem:$0x30];
	_ =	sdelay $0x4  }
0xe0: {  	v62 =	vshll.u32 v3, $0x1  }
0xe1: {  	v3 =	vand.u32 $0x7, v3;
	v4 =	vand.u32 $0xFFFFFFF0, v62  }
0xe2: {  	v3 =	vor.u32 v3, v4  }
0xe3: {  	v4 =	vperm.xlane v3, v0;
	_ =	sdelay $0x1  }
0xe4: {  	v3 =	vperm.xlane v3, v2;
	v4 =	vadd.s32 v1, v4;
	_ =	sdelay $0x1  }
0xe5: {  	v3 =	vadd.s32 v1, v3;
	_ =	sdelay $0x2  }
0xe6: {  	[hbm4b:s2+s3] =	stream.indirect_vreg.scatter [tilespmem:s19], [sflag:$0x1], $0x80, v4, vm0, $0xb8;
	[tilespmem:$0x5080] =	vst v63  }
0xe7: {  	_ = 	snop  }
0xe8: {  	[hbm4b:s2+s3] =	stream.indirect_vreg.scatter [tilespmem:s20], [sflag:$0x1], $0x80, v3, vm0, $0xb8;
	[tilespmem:$0x5080] =	vst v63  }
0xe9: {  	v3 =	vld [tilespmem:$0x40];
	_ =	sdelay $0x4  }
0xea: {  	v63 =	vshll.u32 v3, $0x1  }
0xeb: {  	v3 =	vand.u32 $0x7, v3;
	v4 =	vand.u32 $0xFFFFFFF0, v63  }
0xec: {  	v3 =	vor.u32 v3, v4  }
0xed: {  	v4 =	vperm.xlane v3, v0;
	_ =	sdelay $0x1  }
0xee: {  	v3 =	vperm.xlane v3, v2;
	v4 =	vadd.s32 v1, v4;
	_ =	sdelay $0x1  }
0xef: {  	v3 =	vadd.s32 v1, v3;
	_ =	sdelay $0x2  }
0xf0: {  	[hbm4b:s2+s3] =	stream.indirect_vreg.scatter [tilespmem:s21], [sflag:$0x1], $0x80, v4, vm0, $0xb8;
	[tilespmem:$0x5080] =	vst v63  }
.Ltmp13:
0xf1: {  	_ = 	snop;
	(pc) =	sbr.rel .LBB2_12-.Ltmp13, $4  }
0xf2: {  	[hbm4b:s2+s3] =	stream.indirect_vreg.scatter [tilespmem:s22], [sflag:$0x1], $0x80, v3, vm0, $0xb8;
	[tilespmem:$0x5080] =	vst v63  }
0xf3: {  	_ =	swait.ge [sflag:s23], $0x5000  }
0xf4: {  	[sflag:s23] =	ssyncset.done $0x0  }
0xf5: {  	[sflag:s23] =	ssyncadd.s32 $0xFFFFB000  }
.LBB2_14:
0xf6: {  	_ =	sfence.sel $0x180000  }
0xf7: {  	[bflag:$0x0] =	sbarrier.arrive $0xFFFF  }
0xf8: {  	p0 =	sne.s32 s1, $0x0;
	_ =	strace $0x9000004A  }
0xf9: {  	s0 =	sadd.s32 @!p0 $0x100000, s0;
	[bflag:$0x2] =	sbarrier.arrive $0xFFFF  }
0xfa: {  	[sflag:s0] =	ssyncadd.tile.s32 @!p0 $0x1;
	_ =	shalt  }
.Lfunc_end2:
_tile_overlayer_lowered:
.L_overlay_start_2:
0xfb: {  	(tag) =	ssettag $0x2  }
0xfc: {  	s0 =	rddreg [dreg:$0x0];
	s2 =	stileid.u32  }
0xfd: {  	s1 =	rddreg [dreg:$0x1];
	p0 =	sne.s32 s2, $0x0  }
0xfe: {  	s3 =	rddreg [dreg:$0x2];
	[bflag:$0x3] =	sbarrier.arrive $0xFFFF;
	s2 =	simm.s32 @!p0 $0x1C01  }
0xff: {  	[timem:s3], [sflag:s2] =	dma.local @!p0 [hbm:s0], s1  }
0x100: {  	s0 =	simm.s32 @!p0 $0x1  }
0x101: {  	_ =	swait.ge @!p0 [sflag:s0], s1  }
0x102: {  	s1 =	ssub.s32 @!p0 $0x0, s1;
	[sflag:s0] =	ssyncset.done @!p0 $0x0  }
0x103: {  	[sflag:s0] =	ssyncadd.s32 @!p0 s1  }
0x104: {  	[bflag:$0x3] =	sbarrier.arrive $0xFFFF  }
0x105: {  	_ =	shalt  }

</sc_bundles>
